<compile_context>
chip_gen: v7x
topology: tpu7x:2x2x1
jax: 0.10.2.dev20260603
libtpu: 0.0.44.dev20260713+nightly
codegen_flags: <defaults>
</compile_context>

<pallas_src>
import functools

import jax
import jax.numpy as jnp
from jax import lax
from jax.experimental import pallas as pl
from jax.experimental.pallas import tpu as pltpu
from jax.experimental.pallas import tpu_sc as plsc

N_CLASSES = 100000
EMBED_DIM = 64
BATCH = 16384

NC = 2
NS = 16
LANES = 16
NW = NC * NS
B_PER_W = BATCH // NW
CHUNK = 128
N_CHUNKS = B_PER_W // CHUNK

RB = 12544
T_GRID = 4
PACKED_ROWS = T_GRID * RB
SPLIT = PACKED_ROWS
KB = 8192


def _pack_body(lo_ref, hi_ref, o_ref):
    o_ref[:, 0:EMBED_DIM] = lo_ref[...].T
    o_ref[:, EMBED_DIM : 2 * EMBED_DIM] = hi_ref[...].T


def _pack_table(embed_t):
    return pl.pallas_call(
        _pack_body,
        grid=(T_GRID,),
        in_specs=[
            pl.BlockSpec((EMBED_DIM, RB), lambda j: (0, j)),
            pl.BlockSpec((EMBED_DIM, RB), lambda j: (0, j + T_GRID)),
        ],
        out_specs=pl.BlockSpec((RB, 2 * EMBED_DIM), lambda j: (j, 0)),
        out_shape=jax.ShapeDtypeStruct((PACKED_ROWS, 2 * EMBED_DIM),
                                       jnp.float32),
    )(embed_t, embed_t)


def _gather_kernel(cls_hbm, packed_hbm, mid_hbm, idx_v, q_v, rows_v, sem):
    wid = lax.axis_index("s") * NC + lax.axis_index("c")
    base = wid * B_PER_W

    pltpu.sync_copy(cls_hbm.at[pl.ds(base, B_PER_W)], idx_v)

    gathers = []
    for g in range(B_PER_W // LANES):
        v = idx_v[pl.ds(g * LANES, LANES)]
        v = jnp.where(v == 0, N_CLASSES - 1, v - 1)
        q_v[pl.ds(g * LANES, LANES)] = jnp.where(v >= SPLIT, v - SPLIT, v)
        if g % (CHUNK // LANES) == CHUNK // LANES - 1:
            j = g // (CHUNK // LANES)
            gathers.append(
                pltpu.async_copy(
                    packed_hbm.at[q_v.at[pl.ds(j * CHUNK, CHUNK)]],
                    rows_v.at[pl.ds(j * CHUNK, CHUNK)],
                    sem,
                )
            )
    for c in gathers:
        c.wait()

    pltpu.sync_copy(rows_v, mid_hbm.at[pl.ds(base, B_PER_W)])


def _unpack_body(cls_ref, m_ref, o_ref):
    iv = cls_ref[...]
    idx = jnp.where(iv == 0, N_CLASSES - 1, iv - 1)
    hi = idx >= SPLIT
    xt = m_ref[...].T
    o_ref[...] = jnp.where(hi[None, :], xt[EMBED_DIM:, :], xt[:EMBED_DIM, :])


@jax.jit
def kernel(embed, cls):
    packed = _pack_table(embed.T)

    mesh = plsc.VectorSubcoreMesh(core_axis_name="c", subcore_axis_name="s")
    run = functools.partial(
        pl.kernel,
        out_type=jax.ShapeDtypeStruct((BATCH, 2 * EMBED_DIM), jnp.float32),
        mesh=mesh,
        scratch_types=[
            pltpu.VMEM((B_PER_W,), jnp.int32),
            pltpu.VMEM((B_PER_W,), jnp.int32),
            pltpu.VMEM((B_PER_W, 2 * EMBED_DIM), jnp.float32),
            pltpu.SemaphoreType.DMA,
        ],
        compiler_params=pltpu.CompilerParams(
            use_tc_tiling_on_sc=True, needs_layout_passes=False
        ),
    )(_gather_kernel)
    mid = run(cls, packed)

    out_t = pl.pallas_call(
        _unpack_body,
        grid=(BATCH // KB,),
        in_specs=[
            pl.BlockSpec((KB,), lambda j: (j,)),
            pl.BlockSpec((KB, 2 * EMBED_DIM), lambda j: (j, 0)),
        ],
        out_specs=pl.BlockSpec((EMBED_DIM, KB), lambda j: (0, j)),
        out_shape=jax.ShapeDtypeStruct((EMBED_DIM, BATCH), jnp.float32),
    )(cls, mid)
    return out_t.T

# --- scband reference (transcript-rebuilt; emitter-appended) ---
"""Pipeline reference for scband-class-embed-7035156431205 (READ-ONLY COPY).

The authoritative reference and input builder live on the scoring server;
editing this copy changes nothing except your own understanding.
"""

import jax, jax.numpy as jnp
import numpy as np

N_CLASSES = 100000
EMBED_DIM = 64
BATCH = 16384

def setup_inputs(seed: int = 0) -> dict:
    key = jax.random.key(seed)
    k_idx, k_tab = jax.random.split(key)
    cls = jax.random.randint(k_idx, (BATCH,), 0, N_CLASSES, dtype=jnp.int32)
    # learned parameter: embedding table [n_classes, embed_dim]
    embed = jax.random.normal(k_tab, (N_CLASSES, EMBED_DIM), dtype=jnp.float32) * 0.02
    return {"embed": embed, "cls": cls}

def reference(embed, cls):
    # ClassEmbed.forward: self.embed[cls.long() - 1]
    # torch wraps negative index -1 to last row; emulate with modulo
    idx = (cls.astype(jnp.int32) - 1) % embed.shape[0]
    return jnp.take(embed, idx, axis=0)

if __name__ == "__main__":
    import jax
    _d = setup_inputs()
    print(jax.jit(kernel)(*tuple(_d.values())))

</pallas_src>

<mosaic_0001>
#map = affine_map<(d0, d1) -> (0)>
#map1 = affine_map<(d0, d1) -> (0, 0)>
module attributes {stable_mosaic.version = 14 : i64} {
  func.func @_gather_kernel(%arg0: i32, %arg1: i32, %arg2: memref<16384xi32, #tpu.memory_space<hbm>>, %arg3: memref<50176x128xf32, #tpu.memory_space<hbm>>, %arg4: memref<16384x128xf32, #tpu.memory_space<hbm>>, %arg5: memref<512xi32, #tpu.memory_space<vmem>>, %arg6: memref<512xi32, #tpu.memory_space<vmem>>, %arg7: memref<512x128xf32, #tpu.memory_space<vmem>>, %arg8: memref<!tpu.dma_semaphore, #tpu.memory_space<semaphore_mem>>) attributes {dimension_semantics = [#tpu.dimension_semantics<core_parallel>, #tpu.dimension_semantics<subcore_parallel>], iteration_bounds = array<i64: 2, 16>, scalar_prefetch = 0 : i64, scratch_operands = 4 : i64, tpu.core_type = #tpu.core_type<sc_vector_subcore>, window_params = [{transform_indices = #map}, {transform_indices = #map1}, {transform_indices = #map1}]} {
    %mul3A = arith.constant 2 : i32
    %mul3A_0 = arith.muli %arg1, %mul3A : i32
    %add3A = arith.addi %mul3A_0, %arg0 : i32
    %mul3A_1 = arith.constant 512 : i32
    %mul3A_2 = arith.muli %add3A, %mul3A_1 : i32
    "tpu.region"() ({
      %run_scoped3A = tpu.sem_alloc : memref<!tpu.dma_semaphore, #tpu.memory_space<semaphore_mem>>
      %dma_start3A_697 = tpu.memref_slice %arg2[%mul3A_2] : memref<16384xi32, #tpu.memory_space<hbm>> -> memref<512xi32, #tpu.memory_space<hbm>>
      %dma_start3A_698 = tpu.memref_slice %arg2[%mul3A_2] : memref<16384xi32, #tpu.memory_space<hbm>> -> memref<512xi32, #tpu.memory_space<hbm>>
      tpu.enqueue_dma source(%dma_start3A_698 : memref<512xi32, #tpu.memory_space<hbm>>) target(%arg5 : memref<512xi32, #tpu.memory_space<vmem>>) target_semaphore(%run_scoped3A : memref<!tpu.dma_semaphore, #tpu.memory_space<semaphore_mem>>)
      %dma_wait3A_699 = tpu.memref_slice %arg2[%mul3A_2] : memref<16384xi32, #tpu.memory_space<hbm>> -> memref<512xi32, #tpu.memory_space<hbm>>
      %dma_wait3A_700 = tpu.memref_slice %arg2[%mul3A_2] : memref<16384xi32, #tpu.memory_space<hbm>> -> memref<512xi32, #tpu.memory_space<hbm>>
      tpu.wait_dma2 semaphore(%run_scoped3A : memref<!tpu.dma_semaphore, #tpu.memory_space<semaphore_mem>>) src(%dma_wait3A_700 : memref<512xi32, #tpu.memory_space<hbm>>) dst(%arg5 : memref<512xi32, #tpu.memory_space<vmem>>)
      tpu.yield
    }) : () -> ()
    %get3A = arith.constant 0 : index
    %get3A_3 = tpu.vector_load %arg5[%get3A] {strides = array<i32>} : memref<512xi32, #tpu.memory_space<vmem>>, vector<16xi32>,
    %eq3A = arith.constant 0 : i32
    %eq3A_4 = vector.broadcast %eq3A : i32 to vector<16xi32>
    %eq3A_5 = arith.cmpi eq, %get3A_3, %eq3A_4 : vector<16xi32>
    %sub3A = arith.constant 1 : i32
    %sub3A_6 = vector.broadcast %sub3A : i32 to vector<16xi32>
    %sub3A_7 = arith.subi %get3A_3, %sub3A_6 : vector<16xi32>
    %jit3A = arith.constant 99999 : i32
    %broadcast_in_dim3A = vector.broadcast %jit3A : i32 to vector<16xi32>
    %select_n3A = arith.select %eq3A_5, %broadcast_in_dim3A, %sub3A_7 : vector<16xi1>, vector<16xi32>
    %ge3A = arith.constant 50176 : i32
    %ge3A_8 = vector.broadcast %ge3A : i32 to vector<16xi32>
    %ge3A_9 = arith.cmpi sge, %select_n3A, %ge3A_8 : vector<16xi32>
    %sub3A_10 = arith.constant 50176 : i32
    %sub3A_11 = vector.broadcast %sub3A_10 : i32 to vector<16xi32>
    %sub3A_12 = arith.subi %select_n3A, %sub3A_11 : vector<16xi32>
    %select_n3A_13 = arith.select %ge3A_9, %sub3A_12, %select_n3A : vector<16xi1>, vector<16xi32>
    %swap3A = arith.constant 0 : index
    %swap3A_14 = tpu.vector_load %arg6[%swap3A] {strides = array<i32>} : memref<512xi32, #tpu.memory_space<vmem>>, vector<16xi32>,
    tpu.vector_store %arg6[%swap3A], %select_n3A_13 {strides = array<i32>} : memref<512xi32, #tpu.memory_space<vmem>>, vector<16xi32>,
    %get3A_15 = arith.constant 16 : index
    %get3A_16 = tpu.vector_load %arg5[%get3A_15] {strides = array<i32>} : memref<512xi32, #tpu.memory_space<vmem>>, vector<16xi32>,
    %eq3A_17 = arith.constant 0 : i32
    %eq3A_18 = vector.broadcast %eq3A_17 : i32 to vector<16xi32>
    %eq3A_19 = arith.cmpi eq, %get3A_16, %eq3A_18 : vector<16xi32>
    %sub3A_20 = arith.constant 1 : i32
    %sub3A_21 = vector.broadcast %sub3A_20 : i32 to vector<16xi32>
    %sub3A_22 = arith.subi %get3A_16, %sub3A_21 : vector<16xi32>
    %jit3A_23 = arith.constant 99999 : i32
    %broadcast_in_dim3A_24 = vector.broadcast %jit3A_23 : i32 to vector<16xi32>
    %select_n3A_25 = arith.select %eq3A_19, %broadcast_in_dim3A_24, %sub3A_22 : vector<16xi1>, vector<16xi32>
    %ge3A_26 = arith.constant 50176 : i32
    %ge3A_27 = vector.broadcast %ge3A_26 : i32 to vector<16xi32>
    %ge3A_28 = arith.cmpi sge, %select_n3A_25, %ge3A_27 : vector<16xi32>
    %sub3A_29 = arith.constant 50176 : i32
    %sub3A_30 = vector.broadcast %sub3A_29 : i32 to vector<16xi32>
    %sub3A_31 = arith.subi %select_n3A_25, %sub3A_30 : vector<16xi32>
    %select_n3A_32 = arith.select %ge3A_28, %sub3A_31, %select_n3A_25 : vector<16xi1>, vector<16xi32>
    %swap3A_33 = arith.constant 16 : index
    %swap3A_34 = tpu.vector_load %arg6[%swap3A_33] {strides = array<i32>} : memref<512xi32, #tpu.memory_space<vmem>>, vector<16xi32>,
    tpu.vector_store %arg6[%swap3A_33], %select_n3A_32 {strides = array<i32>} : memref<512xi32, #tpu.memory_space<vmem>>, vector<16xi32>,
    %get3A_35 = arith.constant 32 : index
    %get3A_36 = tpu.vector_load %arg5[%get3A_35] {strides = array<i32>} : memref<512xi32, #tpu.memory_space<vmem>>, vector<16xi32>,
    %eq3A_37 = arith.constant 0 : i32
    %eq3A_38 = vector.broadcast %eq3A_37 : i32 to vector<16xi32>
    %eq3A_39 = arith.cmpi eq, %get3A_36, %eq3A_38 : vector<16xi32>
    %sub3A_40 = arith.constant 1 : i32
    %sub3A_41 = vector.broadcast %sub3A_40 : i32 to vector<16xi32>
    %sub3A_42 = arith.subi %get3A_36, %sub3A_41 : vector<16xi32>
    %jit3A_43 = arith.constant 99999 : i32
    %broadcast_in_dim3A_44 = vector.broadcast %jit3A_43 : i32 to vector<16xi32>
    %select_n3A_45 = arith.select %eq3A_39, %broadcast_in_dim3A_44, %sub3A_42 : vector<16xi1>, vector<16xi32>
    %ge3A_46 = arith.constant 50176 : i32
    %ge3A_47 = vector.broadcast %ge3A_46 : i32 to vector<16xi32>
    %ge3A_48 = arith.cmpi sge, %select_n3A_45, %ge3A_47 : vector<16xi32>
    %sub3A_49 = arith.constant 50176 : i32
    %sub3A_50 = vector.broadcast %sub3A_49 : i32 to vector<16xi32>
    %sub3A_51 = arith.subi %select_n3A_45, %sub3A_50 : vector<16xi32>
    %select_n3A_52 = arith.select %ge3A_48, %sub3A_51, %select_n3A_45 : vector<16xi1>, vector<16xi32>
    %swap3A_53 = arith.constant 32 : index
    %swap3A_54 = tpu.vector_load %arg6[%swap3A_53] {strides = array<i32>} : memref<512xi32, #tpu.memory_space<vmem>>, vector<16xi32>,
    tpu.vector_store %arg6[%swap3A_53], %select_n3A_52 {strides = array<i32>} : memref<512xi32, #tpu.memory_space<vmem>>, vector<16xi32>,
    %get3A_55 = arith.constant 48 : index
    %get3A_56 = tpu.vector_load %arg5[%get3A_55] {strides = array<i32>} : memref<512xi32, #tpu.memory_space<vmem>>, vector<16xi32>,
    %eq3A_57 = arith.constant 0 : i32
    %eq3A_58 = vector.broadcast %eq3A_57 : i32 to vector<16xi32>
    %eq3A_59 = arith.cmpi eq, %get3A_56, %eq3A_58 : vector<16xi32>
    %sub3A_60 = arith.constant 1 : i32
    %sub3A_61 = vector.broadcast %sub3A_60 : i32 to vector<16xi32>
    %sub3A_62 = arith.subi %get3A_56, %sub3A_61 : vector<16xi32>
    %jit3A_63 = arith.constant 99999 : i32
    %broadcast_in_dim3A_64 = vector.broadcast %jit3A_63 : i32 to vector<16xi32>
    %select_n3A_65 = arith.select %eq3A_59, %broadcast_in_dim3A_64, %sub3A_62 : vector<16xi1>, vector<16xi32>
    %ge3A_66 = arith.constant 50176 : i32
    %ge3A_67 = vector.broadcast %ge3A_66 : i32 to vector<16xi32>
    %ge3A_68 = arith.cmpi sge, %select_n3A_65, %ge3A_67 : vector<16xi32>
    %sub3A_69 = arith.constant 50176 : i32
    %sub3A_70 = vector.broadcast %sub3A_69 : i32 to vector<16xi32>
    %sub3A_71 = arith.subi %select_n3A_65, %sub3A_70 : vector<16xi32>
    %select_n3A_72 = arith.select %ge3A_68, %sub3A_71, %select_n3A_65 : vector<16xi1>, vector<16xi32>
    %swap3A_73 = arith.constant 48 : index
    %swap3A_74 = tpu.vector_load %arg6[%swap3A_73] {strides = array<i32>} : memref<512xi32, #tpu.memory_space<vmem>>, vector<16xi32>,
    tpu.vector_store %arg6[%swap3A_73], %select_n3A_72 {strides = array<i32>} : memref<512xi32, #tpu.memory_space<vmem>>, vector<16xi32>,
    %get3A_75 = arith.constant 64 : index
    %get3A_76 = tpu.vector_load %arg5[%get3A_75] {strides = array<i32>} : memref<512xi32, #tpu.memory_space<vmem>>, vector<16xi32>,
    %eq3A_77 = arith.constant 0 : i32
    %eq3A_78 = vector.broadcast %eq3A_77 : i32 to vector<16xi32>
    %eq3A_79 = arith.cmpi eq, %get3A_76, %eq3A_78 : vector<16xi32>
    %sub3A_80 = arith.constant 1 : i32
    %sub3A_81 = vector.broadcast %sub3A_80 : i32 to vector<16xi32>
    %sub3A_82 = arith.subi %get3A_76, %sub3A_81 : vector<16xi32>
    %jit3A_83 = arith.constant 99999 : i32
    %broadcast_in_dim3A_84 = vector.broadcast %jit3A_83 : i32 to vector<16xi32>
    %select_n3A_85 = arith.select %eq3A_79, %broadcast_in_dim3A_84, %sub3A_82 : vector<16xi1>, vector<16xi32>
    %ge3A_86 = arith.constant 50176 : i32
    %ge3A_87 = vector.broadcast %ge3A_86 : i32 to vector<16xi32>
    %ge3A_88 = arith.cmpi sge, %select_n3A_85, %ge3A_87 : vector<16xi32>
    %sub3A_89 = arith.constant 50176 : i32
    %sub3A_90 = vector.broadcast %sub3A_89 : i32 to vector<16xi32>
    %sub3A_91 = arith.subi %select_n3A_85, %sub3A_90 : vector<16xi32>
    %select_n3A_92 = arith.select %ge3A_88, %sub3A_91, %select_n3A_85 : vector<16xi1>, vector<16xi32>
    %swap3A_93 = arith.constant 64 : index
    %swap3A_94 = tpu.vector_load %arg6[%swap3A_93] {strides = array<i32>} : memref<512xi32, #tpu.memory_space<vmem>>, vector<16xi32>,
    tpu.vector_store %arg6[%swap3A_93], %select_n3A_92 {strides = array<i32>} : memref<512xi32, #tpu.memory_space<vmem>>, vector<16xi32>,
    %get3A_95 = arith.constant 80 : index
    %get3A_96 = tpu.vector_load %arg5[%get3A_95] {strides = array<i32>} : memref<512xi32, #tpu.memory_space<vmem>>, vector<16xi32>,
    %eq3A_97 = arith.constant 0 : i32
    %eq3A_98 = vector.broadcast %eq3A_97 : i32 to vector<16xi32>
    %eq3A_99 = arith.cmpi eq, %get3A_96, %eq3A_98 : vector<16xi32>
    %sub3A_100 = arith.constant 1 : i32
    %sub3A_101 = vector.broadcast %sub3A_100 : i32 to vector<16xi32>
    %sub3A_102 = arith.subi %get3A_96, %sub3A_101 : vector<16xi32>
    %jit3A_103 = arith.constant 99999 : i32
    %broadcast_in_dim3A_104 = vector.broadcast %jit3A_103 : i32 to vector<16xi32>
    %select_n3A_105 = arith.select %eq3A_99, %broadcast_in_dim3A_104, %sub3A_102 : vector<16xi1>, vector<16xi32>
    %ge3A_106 = arith.constant 50176 : i32
    %ge3A_107 = vector.broadcast %ge3A_106 : i32 to vector<16xi32>
    %ge3A_108 = arith.cmpi sge, %select_n3A_105, %ge3A_107 : vector<16xi32>
    %sub3A_109 = arith.constant 50176 : i32
    %sub3A_110 = vector.broadcast %sub3A_109 : i32 to vector<16xi32>
    %sub3A_111 = arith.subi %select_n3A_105, %sub3A_110 : vector<16xi32>
    %select_n3A_112 = arith.select %ge3A_108, %sub3A_111, %select_n3A_105 : vector<16xi1>, vector<16xi32>
    %swap3A_113 = arith.constant 80 : index
    %swap3A_114 = tpu.vector_load %arg6[%swap3A_113] {strides = array<i32>} : memref<512xi32, #tpu.memory_space<vmem>>, vector<16xi32>,
    tpu.vector_store %arg6[%swap3A_113], %select_n3A_112 {strides = array<i32>} : memref<512xi32, #tpu.memory_space<vmem>>, vector<16xi32>,
    %get3A_115 = arith.constant 96 : index
    %get3A_116 = tpu.vector_load %arg5[%get3A_115] {strides = array<i32>} : memref<512xi32, #tpu.memory_space<vmem>>, vector<16xi32>,
    %eq3A_117 = arith.constant 0 : i32
    %eq3A_118 = vector.broadcast %eq3A_117 : i32 to vector<16xi32>
    %eq3A_119 = arith.cmpi eq, %get3A_116, %eq3A_118 : vector<16xi32>
    %sub3A_120 = arith.constant 1 : i32
    %sub3A_121 = vector.broadcast %sub3A_120 : i32 to vector<16xi32>
    %sub3A_122 = arith.subi %get3A_116, %sub3A_121 : vector<16xi32>
    %jit3A_123 = arith.constant 99999 : i32
    %broadcast_in_dim3A_124 = vector.broadcast %jit3A_123 : i32 to vector<16xi32>
    %select_n3A_125 = arith.select %eq3A_119, %broadcast_in_dim3A_124, %sub3A_122 : vector<16xi1>, vector<16xi32>
    %ge3A_126 = arith.constant 50176 : i32
    %ge3A_127 = vector.broadcast %ge3A_126 : i32 to vector<16xi32>
    %ge3A_128 = arith.cmpi sge, %select_n3A_125, %ge3A_127 : vector<16xi32>
    %sub3A_129 = arith.constant 50176 : i32
    %sub3A_130 = vector.broadcast %sub3A_129 : i32 to vector<16xi32>
    %sub3A_131 = arith.subi %select_n3A_125, %sub3A_130 : vector<16xi32>
    %select_n3A_132 = arith.select %ge3A_128, %sub3A_131, %select_n3A_125 : vector<16xi1>, vector<16xi32>
    %swap3A_133 = arith.constant 96 : index
    %swap3A_134 = tpu.vector_load %arg6[%swap3A_133] {strides = array<i32>} : memref<512xi32, #tpu.memory_space<vmem>>, vector<16xi32>,
    tpu.vector_store %arg6[%swap3A_133], %select_n3A_132 {strides = array<i32>} : memref<512xi32, #tpu.memory_space<vmem>>, vector<16xi32>,
    %get3A_135 = arith.constant 112 : index
    %get3A_136 = tpu.vector_load %arg5[%get3A_135] {strides = array<i32>} : memref<512xi32, #tpu.memory_space<vmem>>, vector<16xi32>,
    %eq3A_137 = arith.constant 0 : i32
    %eq3A_138 = vector.broadcast %eq3A_137 : i32 to vector<16xi32>
    %eq3A_139 = arith.cmpi eq, %get3A_136, %eq3A_138 : vector<16xi32>
    %sub3A_140 = arith.constant 1 : i32
    %sub3A_141 = vector.broadcast %sub3A_140 : i32 to vector<16xi32>
    %sub3A_142 = arith.subi %get3A_136, %sub3A_141 : vector<16xi32>
    %jit3A_143 = arith.constant 99999 : i32
    %broadcast_in_dim3A_144 = vector.broadcast %jit3A_143 : i32 to vector<16xi32>
    %select_n3A_145 = arith.select %eq3A_139, %broadcast_in_dim3A_144, %sub3A_142 : vector<16xi1>, vector<16xi32>
    %ge3A_146 = arith.constant 50176 : i32
    %ge3A_147 = vector.broadcast %ge3A_146 : i32 to vector<16xi32>
    %ge3A_148 = arith.cmpi sge, %select_n3A_145, %ge3A_147 : vector<16xi32>
    %sub3A_149 = arith.constant 50176 : i32
    %sub3A_150 = vector.broadcast %sub3A_149 : i32 to vector<16xi32>
    %sub3A_151 = arith.subi %select_n3A_145, %sub3A_150 : vector<16xi32>
    %select_n3A_152 = arith.select %ge3A_148, %sub3A_151, %select_n3A_145 : vector<16xi1>, vector<16xi32>
    %swap3A_153 = arith.constant 112 : index
    %swap3A_154 = tpu.vector_load %arg6[%swap3A_153] {strides = array<i32>} : memref<512xi32, #tpu.memory_space<vmem>>, vector<16xi32>,
    tpu.vector_store %arg6[%swap3A_153], %select_n3A_152 {strides = array<i32>} : memref<512xi32, #tpu.memory_space<vmem>>, vector<16xi32>,
    %dma_start3A = arith.constant 0 : i32
    %dma_start3A_155 = arith.constant 0 : i32
    %dma_start3A_156 = tpu.memref_slice %arg7[%dma_start3A, %dma_start3A_155] : memref<512x128xf32, #tpu.memory_space<vmem>> -> memref<128x128xf32, #tpu.memory_space<vmem>>
    %dma_start3A_157 = arith.constant 0 : i32
    %dma_start3A_158 = tpu.memref_slice %arg6[%dma_start3A_157] : memref<512xi32, #tpu.memory_space<vmem>> -> memref<128xi32, #tpu.memory_space<vmem>>
    %dma_start3A_159 = arith.constant 0 : i32
    %dma_start3A_160 = arith.constant 0 : i32
    %dma_start3A_161 = tpu.memref_slice %arg3[%dma_start3A_159, %dma_start3A_160] : memref<50176x128xf32, #tpu.memory_space<hbm>> -> memref<50176x128xf32, #tpu.memory_space<hbm>>
    tpu.enqueue_indirect_dma source(%dma_start3A_161 : memref<50176x128xf32, #tpu.memory_space<hbm>>) target(%dma_start3A_156 : memref<128x128xf32, #tpu.memory_space<vmem>>) offsets(%dma_start3A_158 : memref<128xi32, #tpu.memory_space<vmem>>) semaphore(%arg8 : memref<!tpu.dma_semaphore, #tpu.memory_space<semaphore_mem>>)
    %get3A_162 = arith.constant 128 : index
    %get3A_163 = tpu.vector_load %arg5[%get3A_162] {strides = array<i32>} : memref<512xi32, #tpu.memory_space<vmem>>, vector<16xi32>,
    %eq3A_164 = arith.constant 0 : i32
    %eq3A_165 = vector.broadcast %eq3A_164 : i32 to vector<16xi32>
    %eq3A_166 = arith.cmpi eq, %get3A_163, %eq3A_165 : vector<16xi32>
    %sub3A_167 = arith.constant 1 : i32
    %sub3A_168 = vector.broadcast %sub3A_167 : i32 to vector<16xi32>
    %sub3A_169 = arith.subi %get3A_163, %sub3A_168 : vector<16xi32>
    %jit3A_170 = arith.constant 99999 : i32
    %broadcast_in_dim3A_171 = vector.broadcast %jit3A_170 : i32 to vector<16xi32>
    %select_n3A_172 = arith.select %eq3A_166, %broadcast_in_dim3A_171, %sub3A_169 : vector<16xi1>, vector<16xi32>
    %ge3A_173 = arith.constant 50176 : i32
    %ge3A_174 = vector.broadcast %ge3A_173 : i32 to vector<16xi32>
    %ge3A_175 = arith.cmpi sge, %select_n3A_172, %ge3A_174 : vector<16xi32>
    %sub3A_176 = arith.constant 50176 : i32
    %sub3A_177 = vector.broadcast %sub3A_176 : i32 to vector<16xi32>
    %sub3A_178 = arith.subi %select_n3A_172, %sub3A_177 : vector<16xi32>
    %select_n3A_179 = arith.select %ge3A_175, %sub3A_178, %select_n3A_172 : vector<16xi1>, vector<16xi32>
    %swap3A_180 = arith.constant 128 : index
    %swap3A_181 = tpu.vector_load %arg6[%swap3A_180] {strides = array<i32>} : memref<512xi32, #tpu.memory_space<vmem>>, vector<16xi32>,
    tpu.vector_store %arg6[%swap3A_180], %select_n3A_179 {strides = array<i32>} : memref<512xi32, #tpu.memory_space<vmem>>, vector<16xi32>,
    %get3A_182 = arith.constant 144 : index
    %get3A_183 = tpu.vector_load %arg5[%get3A_182] {strides = array<i32>} : memref<512xi32, #tpu.memory_space<vmem>>, vector<16xi32>,
    %eq3A_184 = arith.constant 0 : i32
    %eq3A_185 = vector.broadcast %eq3A_184 : i32 to vector<16xi32>
    %eq3A_186 = arith.cmpi eq, %get3A_183, %eq3A_185 : vector<16xi32>
    %sub3A_187 = arith.constant 1 : i32
    %sub3A_188 = vector.broadcast %sub3A_187 : i32 to vector<16xi32>
    %sub3A_189 = arith.subi %get3A_183, %sub3A_188 : vector<16xi32>
    %jit3A_190 = arith.constant 99999 : i32
    %broadcast_in_dim3A_191 = vector.broadcast %jit3A_190 : i32 to vector<16xi32>
    %select_n3A_192 = arith.select %eq3A_186, %broadcast_in_dim3A_191, %sub3A_189 : vector<16xi1>, vector<16xi32>
    %ge3A_193 = arith.constant 50176 : i32
    %ge3A_194 = vector.broadcast %ge3A_193 : i32 to vector<16xi32>
    %ge3A_195 = arith.cmpi sge, %select_n3A_192, %ge3A_194 : vector<16xi32>
    %sub3A_196 = arith.constant 50176 : i32
    %sub3A_197 = vector.broadcast %sub3A_196 : i32 to vector<16xi32>
    %sub3A_198 = arith.subi %select_n3A_192, %sub3A_197 : vector<16xi32>
    %select_n3A_199 = arith.select %ge3A_195, %sub3A_198, %select_n3A_192 : vector<16xi1>, vector<16xi32>
    %swap3A_200 = arith.constant 144 : index
    %swap3A_201 = tpu.vector_load %arg6[%swap3A_200] {strides = array<i32>} : memref<512xi32, #tpu.memory_space<vmem>>, vector<16xi32>,
    tpu.vector_store %arg6[%swap3A_200], %select_n3A_199 {strides = array<i32>} : memref<512xi32, #tpu.memory_space<vmem>>, vector<16xi32>,
    %get3A_202 = arith.constant 160 : index
    %get3A_203 = tpu.vector_load %arg5[%get3A_202] {strides = array<i32>} : memref<512xi32, #tpu.memory_space<vmem>>, vector<16xi32>,
    %eq3A_204 = arith.constant 0 : i32
    %eq3A_205 = vector.broadcast %eq3A_204 : i32 to vector<16xi32>
    %eq3A_206 = arith.cmpi eq, %get3A_203, %eq3A_205 : vector<16xi32>
    %sub3A_207 = arith.constant 1 : i32
    %sub3A_208 = vector.broadcast %sub3A_207 : i32 to vector<16xi32>
    %sub3A_209 = arith.subi %get3A_203, %sub3A_208 : vector<16xi32>
    %jit3A_210 = arith.constant 99999 : i32
    %broadcast_in_dim3A_211 = vector.broadcast %jit3A_210 : i32 to vector<16xi32>
    %select_n3A_212 = arith.select %eq3A_206, %broadcast_in_dim3A_211, %sub3A_209 : vector<16xi1>, vector<16xi32>
    %ge3A_213 = arith.constant 50176 : i32
    %ge3A_214 = vector.broadcast %ge3A_213 : i32 to vector<16xi32>
    %ge3A_215 = arith.cmpi sge, %select_n3A_212, %ge3A_214 : vector<16xi32>
    %sub3A_216 = arith.constant 50176 : i32
    %sub3A_217 = vector.broadcast %sub3A_216 : i32 to vector<16xi32>
    %sub3A_218 = arith.subi %select_n3A_212, %sub3A_217 : vector<16xi32>
    %select_n3A_219 = arith.select %ge3A_215, %sub3A_218, %select_n3A_212 : vector<16xi1>, vector<16xi32>
    %swap3A_220 = arith.constant 160 : index
    %swap3A_221 = tpu.vector_load %arg6[%swap3A_220] {strides = array<i32>} : memref<512xi32, #tpu.memory_space<vmem>>, vector<16xi32>,
    tpu.vector_store %arg6[%swap3A_220], %select_n3A_219 {strides = array<i32>} : memref<512xi32, #tpu.memory_space<vmem>>, vector<16xi32>,
    %get3A_222 = arith.constant 176 : index
    %get3A_223 = tpu.vector_load %arg5[%get3A_222] {strides = array<i32>} : memref<512xi32, #tpu.memory_space<vmem>>, vector<16xi32>,
    %eq3A_224 = arith.constant 0 : i32
    %eq3A_225 = vector.broadcast %eq3A_224 : i32 to vector<16xi32>
    %eq3A_226 = arith.cmpi eq, %get3A_223, %eq3A_225 : vector<16xi32>
    %sub3A_227 = arith.constant 1 : i32
    %sub3A_228 = vector.broadcast %sub3A_227 : i32 to vector<16xi32>
    %sub3A_229 = arith.subi %get3A_223, %sub3A_228 : vector<16xi32>
    %jit3A_230 = arith.constant 99999 : i32
    %broadcast_in_dim3A_231 = vector.broadcast %jit3A_230 : i32 to vector<16xi32>
    %select_n3A_232 = arith.select %eq3A_226, %broadcast_in_dim3A_231, %sub3A_229 : vector<16xi1>, vector<16xi32>
    %ge3A_233 = arith.constant 50176 : i32
    %ge3A_234 = vector.broadcast %ge3A_233 : i32 to vector<16xi32>
    %ge3A_235 = arith.cmpi sge, %select_n3A_232, %ge3A_234 : vector<16xi32>
    %sub3A_236 = arith.constant 50176 : i32
    %sub3A_237 = vector.broadcast %sub3A_236 : i32 to vector<16xi32>
    %sub3A_238 = arith.subi %select_n3A_232, %sub3A_237 : vector<16xi32>
    %select_n3A_239 = arith.select %ge3A_235, %sub3A_238, %select_n3A_232 : vector<16xi1>, vector<16xi32>
    %swap3A_240 = arith.constant 176 : index
    %swap3A_241 = tpu.vector_load %arg6[%swap3A_240] {strides = array<i32>} : memref<512xi32, #tpu.memory_space<vmem>>, vector<16xi32>,
    tpu.vector_store %arg6[%swap3A_240], %select_n3A_239 {strides = array<i32>} : memref<512xi32, #tpu.memory_space<vmem>>, vector<16xi32>,
    %get3A_242 = arith.constant 192 : index
    %get3A_243 = tpu.vector_load %arg5[%get3A_242] {strides = array<i32>} : memref<512xi32, #tpu.memory_space<vmem>>, vector<16xi32>,
    %eq3A_244 = arith.constant 0 : i32
    %eq3A_245 = vector.broadcast %eq3A_244 : i32 to vector<16xi32>
    %eq3A_246 = arith.cmpi eq, %get3A_243, %eq3A_245 : vector<16xi32>
    %sub3A_247 = arith.constant 1 : i32
    %sub3A_248 = vector.broadcast %sub3A_247 : i32 to vector<16xi32>
    %sub3A_249 = arith.subi %get3A_243, %sub3A_248 : vector<16xi32>
    %jit3A_250 = arith.constant 99999 : i32
    %broadcast_in_dim3A_251 = vector.broadcast %jit3A_250 : i32 to vector<16xi32>
    %select_n3A_252 = arith.select %eq3A_246, %broadcast_in_dim3A_251, %sub3A_249 : vector<16xi1>, vector<16xi32>
    %ge3A_253 = arith.constant 50176 : i32
    %ge3A_254 = vector.broadcast %ge3A_253 : i32 to vector<16xi32>
    %ge3A_255 = arith.cmpi sge, %select_n3A_252, %ge3A_254 : vector<16xi32>
    %sub3A_256 = arith.constant 50176 : i32
    %sub3A_257 = vector.broadcast %sub3A_256 : i32 to vector<16xi32>
    %sub3A_258 = arith.subi %select_n3A_252, %sub3A_257 : vector<16xi32>
    %select_n3A_259 = arith.select %ge3A_255, %sub3A_258, %select_n3A_252 : vector<16xi1>, vector<16xi32>
    %swap3A_260 = arith.constant 192 : index
    %swap3A_261 = tpu.vector_load %arg6[%swap3A_260] {strides = array<i32>} : memref<512xi32, #tpu.memory_space<vmem>>, vector<16xi32>,
    tpu.vector_store %arg6[%swap3A_260], %select_n3A_259 {strides = array<i32>} : memref<512xi32, #tpu.memory_space<vmem>>, vector<16xi32>,
    %get3A_262 = arith.constant 208 : index
    %get3A_263 = tpu.vector_load %arg5[%get3A_262] {strides = array<i32>} : memref<512xi32, #tpu.memory_space<vmem>>, vector<16xi32>,
    %eq3A_264 = arith.constant 0 : i32
    %eq3A_265 = vector.broadcast %eq3A_264 : i32 to vector<16xi32>
    %eq3A_266 = arith.cmpi eq, %get3A_263, %eq3A_265 : vector<16xi32>
    %sub3A_267 = arith.constant 1 : i32
    %sub3A_268 = vector.broadcast %sub3A_267 : i32 to vector<16xi32>
    %sub3A_269 = arith.subi %get3A_263, %sub3A_268 : vector<16xi32>
    %jit3A_270 = arith.constant 99999 : i32
    %broadcast_in_dim3A_271 = vector.broadcast %jit3A_270 : i32 to vector<16xi32>
    %select_n3A_272 = arith.select %eq3A_266, %broadcast_in_dim3A_271, %sub3A_269 : vector<16xi1>, vector<16xi32>
    %ge3A_273 = arith.constant 50176 : i32
    %ge3A_274 = vector.broadcast %ge3A_273 : i32 to vector<16xi32>
    %ge3A_275 = arith.cmpi sge, %select_n3A_272, %ge3A_274 : vector<16xi32>
    %sub3A_276 = arith.constant 50176 : i32
    %sub3A_277 = vector.broadcast %sub3A_276 : i32 to vector<16xi32>
    %sub3A_278 = arith.subi %select_n3A_272, %sub3A_277 : vector<16xi32>
    %select_n3A_279 = arith.select %ge3A_275, %sub3A_278, %select_n3A_272 : vector<16xi1>, vector<16xi32>
    %swap3A_280 = arith.constant 208 : index
    %swap3A_281 = tpu.vector_load %arg6[%swap3A_280] {strides = array<i32>} : memref<512xi32, #tpu.memory_space<vmem>>, vector<16xi32>,
    tpu.vector_store %arg6[%swap3A_280], %select_n3A_279 {strides = array<i32>} : memref<512xi32, #tpu.memory_space<vmem>>, vector<16xi32>,
    %get3A_282 = arith.constant 224 : index
    %get3A_283 = tpu.vector_load %arg5[%get3A_282] {strides = array<i32>} : memref<512xi32, #tpu.memory_space<vmem>>, vector<16xi32>,
    %eq3A_284 = arith.constant 0 : i32
    %eq3A_285 = vector.broadcast %eq3A_284 : i32 to vector<16xi32>
    %eq3A_286 = arith.cmpi eq, %get3A_283, %eq3A_285 : vector<16xi32>
    %sub3A_287 = arith.constant 1 : i32
    %sub3A_288 = vector.broadcast %sub3A_287 : i32 to vector<16xi32>
    %sub3A_289 = arith.subi %get3A_283, %sub3A_288 : vector<16xi32>
    %jit3A_290 = arith.constant 99999 : i32
    %broadcast_in_dim3A_291 = vector.broadcast %jit3A_290 : i32 to vector<16xi32>
    %select_n3A_292 = arith.select %eq3A_286, %broadcast_in_dim3A_291, %sub3A_289 : vector<16xi1>, vector<16xi32>
    %ge3A_293 = arith.constant 50176 : i32
    %ge3A_294 = vector.broadcast %ge3A_293 : i32 to vector<16xi32>
    %ge3A_295 = arith.cmpi sge, %select_n3A_292, %ge3A_294 : vector<16xi32>
    %sub3A_296 = arith.constant 50176 : i32
    %sub3A_297 = vector.broadcast %sub3A_296 : i32 to vector<16xi32>
    %sub3A_298 = arith.subi %select_n3A_292, %sub3A_297 : vector<16xi32>
    %select_n3A_299 = arith.select %ge3A_295, %sub3A_298, %select_n3A_292 : vector<16xi1>, vector<16xi32>
    %swap3A_300 = arith.constant 224 : index
    %swap3A_301 = tpu.vector_load %arg6[%swap3A_300] {strides = array<i32>} : memref<512xi32, #tpu.memory_space<vmem>>, vector<16xi32>,
    tpu.vector_store %arg6[%swap3A_300], %select_n3A_299 {strides = array<i32>} : memref<512xi32, #tpu.memory_space<vmem>>, vector<16xi32>,
    %get3A_302 = arith.constant 240 : index
    %get3A_303 = tpu.vector_load %arg5[%get3A_302] {strides = array<i32>} : memref<512xi32, #tpu.memory_space<vmem>>, vector<16xi32>,
    %eq3A_304 = arith.constant 0 : i32
    %eq3A_305 = vector.broadcast %eq3A_304 : i32 to vector<16xi32>
    %eq3A_306 = arith.cmpi eq, %get3A_303, %eq3A_305 : vector<16xi32>
    %sub3A_307 = arith.constant 1 : i32
    %sub3A_308 = vector.broadcast %sub3A_307 : i32 to vector<16xi32>
    %sub3A_309 = arith.subi %get3A_303, %sub3A_308 : vector<16xi32>
    %jit3A_310 = arith.constant 99999 : i32
    %broadcast_in_dim3A_311 = vector.broadcast %jit3A_310 : i32 to vector<16xi32>
    %select_n3A_312 = arith.select %eq3A_306, %broadcast_in_dim3A_311, %sub3A_309 : vector<16xi1>, vector<16xi32>
    %ge3A_313 = arith.constant 50176 : i32
    %ge3A_314 = vector.broadcast %ge3A_313 : i32 to vector<16xi32>
    %ge3A_315 = arith.cmpi sge, %select_n3A_312, %ge3A_314 : vector<16xi32>
    %sub3A_316 = arith.constant 50176 : i32
    %sub3A_317 = vector.broadcast %sub3A_316 : i32 to vector<16xi32>
    %sub3A_318 = arith.subi %select_n3A_312, %sub3A_317 : vector<16xi32>
    %select_n3A_319 = arith.select %ge3A_315, %sub3A_318, %select_n3A_312 : vector<16xi1>, vector<16xi32>
    %swap3A_320 = arith.constant 240 : index
    %swap3A_321 = tpu.vector_load %arg6[%swap3A_320] {strides = array<i32>} : memref<512xi32, #tpu.memory_space<vmem>>, vector<16xi32>,
    tpu.vector_store %arg6[%swap3A_320], %select_n3A_319 {strides = array<i32>} : memref<512xi32, #tpu.memory_space<vmem>>, vector<16xi32>,
    %dma_start3A_322 = arith.constant 128 : i32
    %dma_start3A_323 = arith.constant 0 : i32
    %dma_start3A_324 = tpu.memref_slice %arg7[%dma_start3A_322, %dma_start3A_323] : memref<512x128xf32, #tpu.memory_space<vmem>> -> memref<128x128xf32, #tpu.memory_space<vmem>>
    %dma_start3A_325 = arith.constant 128 : i32
    %dma_start3A_326 = tpu.memref_slice %arg6[%dma_start3A_325] : memref<512xi32, #tpu.memory_space<vmem>> -> memref<128xi32, #tpu.memory_space<vmem>>
    %dma_start3A_327 = arith.constant 0 : i32
    %dma_start3A_328 = arith.constant 0 : i32
    %dma_start3A_329 = tpu.memref_slice %arg3[%dma_start3A_327, %dma_start3A_328] : memref<50176x128xf32, #tpu.memory_space<hbm>> -> memref<50176x128xf32, #tpu.memory_space<hbm>>
    tpu.enqueue_indirect_dma source(%dma_start3A_329 : memref<50176x128xf32, #tpu.memory_space<hbm>>) target(%dma_start3A_324 : memref<128x128xf32, #tpu.memory_space<vmem>>) offsets(%dma_start3A_326 : memref<128xi32, #tpu.memory_space<vmem>>) semaphore(%arg8 : memref<!tpu.dma_semaphore, #tpu.memory_space<semaphore_mem>>)
    %get3A_330 = arith.constant 256 : index
    %get3A_331 = tpu.vector_load %arg5[%get3A_330] {strides = array<i32>} : memref<512xi32, #tpu.memory_space<vmem>>, vector<16xi32>,
    %eq3A_332 = arith.constant 0 : i32
    %eq3A_333 = vector.broadcast %eq3A_332 : i32 to vector<16xi32>
    %eq3A_334 = arith.cmpi eq, %get3A_331, %eq3A_333 : vector<16xi32>
    %sub3A_335 = arith.constant 1 : i32
    %sub3A_336 = vector.broadcast %sub3A_335 : i32 to vector<16xi32>
    %sub3A_337 = arith.subi %get3A_331, %sub3A_336 : vector<16xi32>
    %jit3A_338 = arith.constant 99999 : i32
    %broadcast_in_dim3A_339 = vector.broadcast %jit3A_338 : i32 to vector<16xi32>
    %select_n3A_340 = arith.select %eq3A_334, %broadcast_in_dim3A_339, %sub3A_337 : vector<16xi1>, vector<16xi32>
    %ge3A_341 = arith.constant 50176 : i32
    %ge3A_342 = vector.broadcast %ge3A_341 : i32 to vector<16xi32>
    %ge3A_343 = arith.cmpi sge, %select_n3A_340, %ge3A_342 : vector<16xi32>
    %sub3A_344 = arith.constant 50176 : i32
    %sub3A_345 = vector.broadcast %sub3A_344 : i32 to vector<16xi32>
    %sub3A_346 = arith.subi %select_n3A_340, %sub3A_345 : vector<16xi32>
    %select_n3A_347 = arith.select %ge3A_343, %sub3A_346, %select_n3A_340 : vector<16xi1>, vector<16xi32>
    %swap3A_348 = arith.constant 256 : index
    %swap3A_349 = tpu.vector_load %arg6[%swap3A_348] {strides = array<i32>} : memref<512xi32, #tpu.memory_space<vmem>>, vector<16xi32>,
    tpu.vector_store %arg6[%swap3A_348], %select_n3A_347 {strides = array<i32>} : memref<512xi32, #tpu.memory_space<vmem>>, vector<16xi32>,
    %get3A_350 = arith.constant 272 : index
    %get3A_351 = tpu.vector_load %arg5[%get3A_350] {strides = array<i32>} : memref<512xi32, #tpu.memory_space<vmem>>, vector<16xi32>,
    %eq3A_352 = arith.constant 0 : i32
    %eq3A_353 = vector.broadcast %eq3A_352 : i32 to vector<16xi32>
    %eq3A_354 = arith.cmpi eq, %get3A_351, %eq3A_353 : vector<16xi32>
    %sub3A_355 = arith.constant 1 : i32
    %sub3A_356 = vector.broadcast %sub3A_355 : i32 to vector<16xi32>
    %sub3A_357 = arith.subi %get3A_351, %sub3A_356 : vector<16xi32>
    %jit3A_358 = arith.constant 99999 : i32
    %broadcast_in_dim3A_359 = vector.broadcast %jit3A_358 : i32 to vector<16xi32>
    %select_n3A_360 = arith.select %eq3A_354, %broadcast_in_dim3A_359, %sub3A_357 : vector<16xi1>, vector<16xi32>
    %ge3A_361 = arith.constant 50176 : i32
    %ge3A_362 = vector.broadcast %ge3A_361 : i32 to vector<16xi32>
    %ge3A_363 = arith.cmpi sge, %select_n3A_360, %ge3A_362 : vector<16xi32>
    %sub3A_364 = arith.constant 50176 : i32
    %sub3A_365 = vector.broadcast %sub3A_364 : i32 to vector<16xi32>
    %sub3A_366 = arith.subi %select_n3A_360, %sub3A_365 : vector<16xi32>
    %select_n3A_367 = arith.select %ge3A_363, %sub3A_366, %select_n3A_360 : vector<16xi1>, vector<16xi32>
    %swap3A_368 = arith.constant 272 : index
    %swap3A_369 = tpu.vector_load %arg6[%swap3A_368] {strides = array<i32>} : memref<512xi32, #tpu.memory_space<vmem>>, vector<16xi32>,
    tpu.vector_store %arg6[%swap3A_368], %select_n3A_367 {strides = array<i32>} : memref<512xi32, #tpu.memory_space<vmem>>, vector<16xi32>,
    %get3A_370 = arith.constant 288 : index
    %get3A_371 = tpu.vector_load %arg5[%get3A_370] {strides = array<i32>} : memref<512xi32, #tpu.memory_space<vmem>>, vector<16xi32>,
    %eq3A_372 = arith.constant 0 : i32
    %eq3A_373 = vector.broadcast %eq3A_372 : i32 to vector<16xi32>
    %eq3A_374 = arith.cmpi eq, %get3A_371, %eq3A_373 : vector<16xi32>
    %sub3A_375 = arith.constant 1 : i32
    %sub3A_376 = vector.broadcast %sub3A_375 : i32 to vector<16xi32>
    %sub3A_377 = arith.subi %get3A_371, %sub3A_376 : vector<16xi32>
    %jit3A_378 = arith.constant 99999 : i32
    %broadcast_in_dim3A_379 = vector.broadcast %jit3A_378 : i32 to vector<16xi32>
    %select_n3A_380 = arith.select %eq3A_374, %broadcast_in_dim3A_379, %sub3A_377 : vector<16xi1>, vector<16xi32>
    %ge3A_381 = arith.constant 50176 : i32
    %ge3A_382 = vector.broadcast %ge3A_381 : i32 to vector<16xi32>
    %ge3A_383 = arith.cmpi sge, %select_n3A_380, %ge3A_382 : vector<16xi32>
    %sub3A_384 = arith.constant 50176 : i32
    %sub3A_385 = vector.broadcast %sub3A_384 : i32 to vector<16xi32>
    %sub3A_386 = arith.subi %select_n3A_380, %sub3A_385 : vector<16xi32>
    %select_n3A_387 = arith.select %ge3A_383, %sub3A_386, %select_n3A_380 : vector<16xi1>, vector<16xi32>
    %swap3A_388 = arith.constant 288 : index
    %swap3A_389 = tpu.vector_load %arg6[%swap3A_388] {strides = array<i32>} : memref<512xi32, #tpu.memory_space<vmem>>, vector<16xi32>,
    tpu.vector_store %arg6[%swap3A_388], %select_n3A_387 {strides = array<i32>} : memref<512xi32, #tpu.memory_space<vmem>>, vector<16xi32>,
    %get3A_390 = arith.constant 304 : index
    %get3A_391 = tpu.vector_load %arg5[%get3A_390] {strides = array<i32>} : memref<512xi32, #tpu.memory_space<vmem>>, vector<16xi32>,
    %eq3A_392 = arith.constant 0 : i32
    %eq3A_393 = vector.broadcast %eq3A_392 : i32 to vector<16xi32>
    %eq3A_394 = arith.cmpi eq, %get3A_391, %eq3A_393 : vector<16xi32>
    %sub3A_395 = arith.constant 1 : i32
    %sub3A_396 = vector.broadcast %sub3A_395 : i32 to vector<16xi32>
    %sub3A_397 = arith.subi %get3A_391, %sub3A_396 : vector<16xi32>
    %jit3A_398 = arith.constant 99999 : i32
    %broadcast_in_dim3A_399 = vector.broadcast %jit3A_398 : i32 to vector<16xi32>
    %select_n3A_400 = arith.select %eq3A_394, %broadcast_in_dim3A_399, %sub3A_397 : vector<16xi1>, vector<16xi32>
    %ge3A_401 = arith.constant 50176 : i32
    %ge3A_402 = vector.broadcast %ge3A_401 : i32 to vector<16xi32>
    %ge3A_403 = arith.cmpi sge, %select_n3A_400, %ge3A_402 : vector<16xi32>
    %sub3A_404 = arith.constant 50176 : i32
    %sub3A_405 = vector.broadcast %sub3A_404 : i32 to vector<16xi32>
    %sub3A_406 = arith.subi %select_n3A_400, %sub3A_405 : vector<16xi32>
    %select_n3A_407 = arith.select %ge3A_403, %sub3A_406, %select_n3A_400 : vector<16xi1>, vector<16xi32>
    %swap3A_408 = arith.constant 304 : index
    %swap3A_409 = tpu.vector_load %arg6[%swap3A_408] {strides = array<i32>} : memref<512xi32, #tpu.memory_space<vmem>>, vector<16xi32>,
    tpu.vector_store %arg6[%swap3A_408], %select_n3A_407 {strides = array<i32>} : memref<512xi32, #tpu.memory_space<vmem>>, vector<16xi32>,
    %get3A_410 = arith.constant 320 : index
    %get3A_411 = tpu.vector_load %arg5[%get3A_410] {strides = array<i32>} : memref<512xi32, #tpu.memory_space<vmem>>, vector<16xi32>,
    %eq3A_412 = arith.constant 0 : i32
    %eq3A_413 = vector.broadcast %eq3A_412 : i32 to vector<16xi32>
    %eq3A_414 = arith.cmpi eq, %get3A_411, %eq3A_413 : vector<16xi32>
    %sub3A_415 = arith.constant 1 : i32
    %sub3A_416 = vector.broadcast %sub3A_415 : i32 to vector<16xi32>
    %sub3A_417 = arith.subi %get3A_411, %sub3A_416 : vector<16xi32>
    %jit3A_418 = arith.constant 99999 : i32
    %broadcast_in_dim3A_419 = vector.broadcast %jit3A_418 : i32 to vector<16xi32>
    %select_n3A_420 = arith.select %eq3A_414, %broadcast_in_dim3A_419, %sub3A_417 : vector<16xi1>, vector<16xi32>
    %ge3A_421 = arith.constant 50176 : i32
    %ge3A_422 = vector.broadcast %ge3A_421 : i32 to vector<16xi32>
    %ge3A_423 = arith.cmpi sge, %select_n3A_420, %ge3A_422 : vector<16xi32>
    %sub3A_424 = arith.constant 50176 : i32
    %sub3A_425 = vector.broadcast %sub3A_424 : i32 to vector<16xi32>
    %sub3A_426 = arith.subi %select_n3A_420, %sub3A_425 : vector<16xi32>
    %select_n3A_427 = arith.select %ge3A_423, %sub3A_426, %select_n3A_420 : vector<16xi1>, vector<16xi32>
    %swap3A_428 = arith.constant 320 : index
    %swap3A_429 = tpu.vector_load %arg6[%swap3A_428] {strides = array<i32>} : memref<512xi32, #tpu.memory_space<vmem>>, vector<16xi32>,
    tpu.vector_store %arg6[%swap3A_428], %select_n3A_427 {strides = array<i32>} : memref<512xi32, #tpu.memory_space<vmem>>, vector<16xi32>,
    %get3A_430 = arith.constant 336 : index
    %get3A_431 = tpu.vector_load %arg5[%get3A_430] {strides = array<i32>} : memref<512xi32, #tpu.memory_space<vmem>>, vector<16xi32>,
    %eq3A_432 = arith.constant 0 : i32
    %eq3A_433 = vector.broadcast %eq3A_432 : i32 to vector<16xi32>
    %eq3A_434 = arith.cmpi eq, %get3A_431, %eq3A_433 : vector<16xi32>
    %sub3A_435 = arith.constant 1 : i32
    %sub3A_436 = vector.broadcast %sub3A_435 : i32 to vector<16xi32>
    %sub3A_437 = arith.subi %get3A_431, %sub3A_436 : vector<16xi32>
    %jit3A_438 = arith.constant 99999 : i32
    %broadcast_in_dim3A_439 = vector.broadcast %jit3A_438 : i32 to vector<16xi32>
    %select_n3A_440 = arith.select %eq3A_434, %broadcast_in_dim3A_439, %sub3A_437 : vector<16xi1>, vector<16xi32>
    %ge3A_441 = arith.constant 50176 : i32
    %ge3A_442 = vector.broadcast %ge3A_441 : i32 to vector<16xi32>
    %ge3A_443 = arith.cmpi sge, %select_n3A_440, %ge3A_442 : vector<16xi32>
    %sub3A_444 = arith.constant 50176 : i32
    %sub3A_445 = vector.broadcast %sub3A_444 : i32 to vector<16xi32>
    %sub3A_446 = arith.subi %select_n3A_440, %sub3A_445 : vector<16xi32>
    %select_n3A_447 = arith.select %ge3A_443, %sub3A_446, %select_n3A_440 : vector<16xi1>, vector<16xi32>
    %swap3A_448 = arith.constant 336 : index
    %swap3A_449 = tpu.vector_load %arg6[%swap3A_448] {strides = array<i32>} : memref<512xi32, #tpu.memory_space<vmem>>, vector<16xi32>,
    tpu.vector_store %arg6[%swap3A_448], %select_n3A_447 {strides = array<i32>} : memref<512xi32, #tpu.memory_space<vmem>>, vector<16xi32>,
    %get3A_450 = arith.constant 352 : index
    %get3A_451 = tpu.vector_load %arg5[%get3A_450] {strides = array<i32>} : memref<512xi32, #tpu.memory_space<vmem>>, vector<16xi32>,
    %eq3A_452 = arith.constant 0 : i32
    %eq3A_453 = vector.broadcast %eq3A_452 : i32 to vector<16xi32>
    %eq3A_454 = arith.cmpi eq, %get3A_451, %eq3A_453 : vector<16xi32>
    %sub3A_455 = arith.constant 1 : i32
    %sub3A_456 = vector.broadcast %sub3A_455 : i32 to vector<16xi32>
    %sub3A_457 = arith.subi %get3A_451, %sub3A_456 : vector<16xi32>
    %jit3A_458 = arith.constant 99999 : i32
    %broadcast_in_dim3A_459 = vector.broadcast %jit3A_458 : i32 to vector<16xi32>
    %select_n3A_460 = arith.select %eq3A_454, %broadcast_in_dim3A_459, %sub3A_457 : vector<16xi1>, vector<16xi32>
    %ge3A_461 = arith.constant 50176 : i32
    %ge3A_462 = vector.broadcast %ge3A_461 : i32 to vector<16xi32>
    %ge3A_463 = arith.cmpi sge, %select_n3A_460, %ge3A_462 : vector<16xi32>
    %sub3A_464 = arith.constant 50176 : i32
    %sub3A_465 = vector.broadcast %sub3A_464 : i32 to vector<16xi32>
    %sub3A_466 = arith.subi %select_n3A_460, %sub3A_465 : vector<16xi32>
    %select_n3A_467 = arith.select %ge3A_463, %sub3A_466, %select_n3A_460 : vector<16xi1>, vector<16xi32>
    %swap3A_468 = arith.constant 352 : index
    %swap3A_469 = tpu.vector_load %arg6[%swap3A_468] {strides = array<i32>} : memref<512xi32, #tpu.memory_space<vmem>>, vector<16xi32>,
    tpu.vector_store %arg6[%swap3A_468], %select_n3A_467 {strides = array<i32>} : memref<512xi32, #tpu.memory_space<vmem>>, vector<16xi32>,
    %get3A_470 = arith.constant 368 : index
    %get3A_471 = tpu.vector_load %arg5[%get3A_470] {strides = array<i32>} : memref<512xi32, #tpu.memory_space<vmem>>, vector<16xi32>,
    %eq3A_472 = arith.constant 0 : i32
    %eq3A_473 = vector.broadcast %eq3A_472 : i32 to vector<16xi32>
    %eq3A_474 = arith.cmpi eq, %get3A_471, %eq3A_473 : vector<16xi32>
    %sub3A_475 = arith.constant 1 : i32
    %sub3A_476 = vector.broadcast %sub3A_475 : i32 to vector<16xi32>
    %sub3A_477 = arith.subi %get3A_471, %sub3A_476 : vector<16xi32>
    %jit3A_478 = arith.constant 99999 : i32
    %broadcast_in_dim3A_479 = vector.broadcast %jit3A_478 : i32 to vector<16xi32>
    %select_n3A_480 = arith.select %eq3A_474, %broadcast_in_dim3A_479, %sub3A_477 : vector<16xi1>, vector<16xi32>
    %ge3A_481 = arith.constant 50176 : i32
    %ge3A_482 = vector.broadcast %ge3A_481 : i32 to vector<16xi32>
    %ge3A_483 = arith.cmpi sge, %select_n3A_480, %ge3A_482 : vector<16xi32>
    %sub3A_484 = arith.constant 50176 : i32
    %sub3A_485 = vector.broadcast %sub3A_484 : i32 to vector<16xi32>
    %sub3A_486 = arith.subi %select_n3A_480, %sub3A_485 : vector<16xi32>
    %select_n3A_487 = arith.select %ge3A_483, %sub3A_486, %select_n3A_480 : vector<16xi1>, vector<16xi32>
    %swap3A_488 = arith.constant 368 : index
    %swap3A_489 = tpu.vector_load %arg6[%swap3A_488] {strides = array<i32>} : memref<512xi32, #tpu.memory_space<vmem>>, vector<16xi32>,
    tpu.vector_store %arg6[%swap3A_488], %select_n3A_487 {strides = array<i32>} : memref<512xi32, #tpu.memory_space<vmem>>, vector<16xi32>,
    %dma_start3A_490 = arith.constant 256 : i32
    %dma_start3A_491 = arith.constant 0 : i32
    %dma_start3A_492 = tpu.memref_slice %arg7[%dma_start3A_490, %dma_start3A_491] : memref<512x128xf32, #tpu.memory_space<vmem>> -> memref<128x128xf32, #tpu.memory_space<vmem>>
    %dma_start3A_493 = arith.constant 256 : i32
    %dma_start3A_494 = tpu.memref_slice %arg6[%dma_start3A_493] : memref<512xi32, #tpu.memory_space<vmem>> -> memref<128xi32, #tpu.memory_space<vmem>>
    %dma_start3A_495 = arith.constant 0 : i32
    %dma_start3A_496 = arith.constant 0 : i32
    %dma_start3A_497 = tpu.memref_slice %arg3[%dma_start3A_495, %dma_start3A_496] : memref<50176x128xf32, #tpu.memory_space<hbm>> -> memref<50176x128xf32, #tpu.memory_space<hbm>>
    tpu.enqueue_indirect_dma source(%dma_start3A_497 : memref<50176x128xf32, #tpu.memory_space<hbm>>) target(%dma_start3A_492 : memref<128x128xf32, #tpu.memory_space<vmem>>) offsets(%dma_start3A_494 : memref<128xi32, #tpu.memory_space<vmem>>) semaphore(%arg8 : memref<!tpu.dma_semaphore, #tpu.memory_space<semaphore_mem>>)
    %get3A_498 = arith.constant 384 : index
    %get3A_499 = tpu.vector_load %arg5[%get3A_498] {strides = array<i32>} : memref<512xi32, #tpu.memory_space<vmem>>, vector<16xi32>,
    %eq3A_500 = arith.constant 0 : i32
    %eq3A_501 = vector.broadcast %eq3A_500 : i32 to vector<16xi32>
    %eq3A_502 = arith.cmpi eq, %get3A_499, %eq3A_501 : vector<16xi32>
    %sub3A_503 = arith.constant 1 : i32
    %sub3A_504 = vector.broadcast %sub3A_503 : i32 to vector<16xi32>
    %sub3A_505 = arith.subi %get3A_499, %sub3A_504 : vector<16xi32>
    %jit3A_506 = arith.constant 99999 : i32
    %broadcast_in_dim3A_507 = vector.broadcast %jit3A_506 : i32 to vector<16xi32>
    %select_n3A_508 = arith.select %eq3A_502, %broadcast_in_dim3A_507, %sub3A_505 : vector<16xi1>, vector<16xi32>
    %ge3A_509 = arith.constant 50176 : i32
    %ge3A_510 = vector.broadcast %ge3A_509 : i32 to vector<16xi32>
    %ge3A_511 = arith.cmpi sge, %select_n3A_508, %ge3A_510 : vector<16xi32>
    %sub3A_512 = arith.constant 50176 : i32
    %sub3A_513 = vector.broadcast %sub3A_512 : i32 to vector<16xi32>
    %sub3A_514 = arith.subi %select_n3A_508, %sub3A_513 : vector<16xi32>
    %select_n3A_515 = arith.select %ge3A_511, %sub3A_514, %select_n3A_508 : vector<16xi1>, vector<16xi32>
    %swap3A_516 = arith.constant 384 : index
    %swap3A_517 = tpu.vector_load %arg6[%swap3A_516] {strides = array<i32>} : memref<512xi32, #tpu.memory_space<vmem>>, vector<16xi32>,
    tpu.vector_store %arg6[%swap3A_516], %select_n3A_515 {strides = array<i32>} : memref<512xi32, #tpu.memory_space<vmem>>, vector<16xi32>,
    %get3A_518 = arith.constant 400 : index
    %get3A_519 = tpu.vector_load %arg5[%get3A_518] {strides = array<i32>} : memref<512xi32, #tpu.memory_space<vmem>>, vector<16xi32>,
    %eq3A_520 = arith.constant 0 : i32
    %eq3A_521 = vector.broadcast %eq3A_520 : i32 to vector<16xi32>
    %eq3A_522 = arith.cmpi eq, %get3A_519, %eq3A_521 : vector<16xi32>
    %sub3A_523 = arith.constant 1 : i32
    %sub3A_524 = vector.broadcast %sub3A_523 : i32 to vector<16xi32>
    %sub3A_525 = arith.subi %get3A_519, %sub3A_524 : vector<16xi32>
    %jit3A_526 = arith.constant 99999 : i32
    %broadcast_in_dim3A_527 = vector.broadcast %jit3A_526 : i32 to vector<16xi32>
    %select_n3A_528 = arith.select %eq3A_522, %broadcast_in_dim3A_527, %sub3A_525 : vector<16xi1>, vector<16xi32>
    %ge3A_529 = arith.constant 50176 : i32
    %ge3A_530 = vector.broadcast %ge3A_529 : i32 to vector<16xi32>
    %ge3A_531 = arith.cmpi sge, %select_n3A_528, %ge3A_530 : vector<16xi32>
    %sub3A_532 = arith.constant 50176 : i32
    %sub3A_533 = vector.broadcast %sub3A_532 : i32 to vector<16xi32>
    %sub3A_534 = arith.subi %select_n3A_528, %sub3A_533 : vector<16xi32>
    %select_n3A_535 = arith.select %ge3A_531, %sub3A_534, %select_n3A_528 : vector<16xi1>, vector<16xi32>
    %swap3A_536 = arith.constant 400 : index
    %swap3A_537 = tpu.vector_load %arg6[%swap3A_536] {strides = array<i32>} : memref<512xi32, #tpu.memory_space<vmem>>, vector<16xi32>,
    tpu.vector_store %arg6[%swap3A_536], %select_n3A_535 {strides = array<i32>} : memref<512xi32, #tpu.memory_space<vmem>>, vector<16xi32>,
    %get3A_538 = arith.constant 416 : index
    %get3A_539 = tpu.vector_load %arg5[%get3A_538] {strides = array<i32>} : memref<512xi32, #tpu.memory_space<vmem>>, vector<16xi32>,
    %eq3A_540 = arith.constant 0 : i32
    %eq3A_541 = vector.broadcast %eq3A_540 : i32 to vector<16xi32>
    %eq3A_542 = arith.cmpi eq, %get3A_539, %eq3A_541 : vector<16xi32>
    %sub3A_543 = arith.constant 1 : i32
    %sub3A_544 = vector.broadcast %sub3A_543 : i32 to vector<16xi32>
    %sub3A_545 = arith.subi %get3A_539, %sub3A_544 : vector<16xi32>
    %jit3A_546 = arith.constant 99999 : i32
    %broadcast_in_dim3A_547 = vector.broadcast %jit3A_546 : i32 to vector<16xi32>
    %select_n3A_548 = arith.select %eq3A_542, %broadcast_in_dim3A_547, %sub3A_545 : vector<16xi1>, vector<16xi32>
    %ge3A_549 = arith.constant 50176 : i32
    %ge3A_550 = vector.broadcast %ge3A_549 : i32 to vector<16xi32>
    %ge3A_551 = arith.cmpi sge, %select_n3A_548, %ge3A_550 : vector<16xi32>
    %sub3A_552 = arith.constant 50176 : i32
    %sub3A_553 = vector.broadcast %sub3A_552 : i32 to vector<16xi32>
    %sub3A_554 = arith.subi %select_n3A_548, %sub3A_553 : vector<16xi32>
    %select_n3A_555 = arith.select %ge3A_551, %sub3A_554, %select_n3A_548 : vector<16xi1>, vector<16xi32>
    %swap3A_556 = arith.constant 416 : index
    %swap3A_557 = tpu.vector_load %arg6[%swap3A_556] {strides = array<i32>} : memref<512xi32, #tpu.memory_space<vmem>>, vector<16xi32>,
    tpu.vector_store %arg6[%swap3A_556], %select_n3A_555 {strides = array<i32>} : memref<512xi32, #tpu.memory_space<vmem>>, vector<16xi32>,
    %get3A_558 = arith.constant 432 : index
    %get3A_559 = tpu.vector_load %arg5[%get3A_558] {strides = array<i32>} : memref<512xi32, #tpu.memory_space<vmem>>, vector<16xi32>,
    %eq3A_560 = arith.constant 0 : i32
    %eq3A_561 = vector.broadcast %eq3A_560 : i32 to vector<16xi32>
    %eq3A_562 = arith.cmpi eq, %get3A_559, %eq3A_561 : vector<16xi32>
    %sub3A_563 = arith.constant 1 : i32
    %sub3A_564 = vector.broadcast %sub3A_563 : i32 to vector<16xi32>
    %sub3A_565 = arith.subi %get3A_559, %sub3A_564 : vector<16xi32>
    %jit3A_566 = arith.constant 99999 : i32
    %broadcast_in_dim3A_567 = vector.broadcast %jit3A_566 : i32 to vector<16xi32>
    %select_n3A_568 = arith.select %eq3A_562, %broadcast_in_dim3A_567, %sub3A_565 : vector<16xi1>, vector<16xi32>
    %ge3A_569 = arith.constant 50176 : i32
    %ge3A_570 = vector.broadcast %ge3A_569 : i32 to vector<16xi32>
    %ge3A_571 = arith.cmpi sge, %select_n3A_568, %ge3A_570 : vector<16xi32>
    %sub3A_572 = arith.constant 50176 : i32
    %sub3A_573 = vector.broadcast %sub3A_572 : i32 to vector<16xi32>
    %sub3A_574 = arith.subi %select_n3A_568, %sub3A_573 : vector<16xi32>
    %select_n3A_575 = arith.select %ge3A_571, %sub3A_574, %select_n3A_568 : vector<16xi1>, vector<16xi32>
    %swap3A_576 = arith.constant 432 : index
    %swap3A_577 = tpu.vector_load %arg6[%swap3A_576] {strides = array<i32>} : memref<512xi32, #tpu.memory_space<vmem>>, vector<16xi32>,
    tpu.vector_store %arg6[%swap3A_576], %select_n3A_575 {strides = array<i32>} : memref<512xi32, #tpu.memory_space<vmem>>, vector<16xi32>,
    %get3A_578 = arith.constant 448 : index
    %get3A_579 = tpu.vector_load %arg5[%get3A_578] {strides = array<i32>} : memref<512xi32, #tpu.memory_space<vmem>>, vector<16xi32>,
    %eq3A_580 = arith.constant 0 : i32
    %eq3A_581 = vector.broadcast %eq3A_580 : i32 to vector<16xi32>
    %eq3A_582 = arith.cmpi eq, %get3A_579, %eq3A_581 : vector<16xi32>
    %sub3A_583 = arith.constant 1 : i32
    %sub3A_584 = vector.broadcast %sub3A_583 : i32 to vector<16xi32>
    %sub3A_585 = arith.subi %get3A_579, %sub3A_584 : vector<16xi32>
    %jit3A_586 = arith.constant 99999 : i32
    %broadcast_in_dim3A_587 = vector.broadcast %jit3A_586 : i32 to vector<16xi32>
    %select_n3A_588 = arith.select %eq3A_582, %broadcast_in_dim3A_587, %sub3A_585 : vector<16xi1>, vector<16xi32>
    %ge3A_589 = arith.constant 50176 : i32
    %ge3A_590 = vector.broadcast %ge3A_589 : i32 to vector<16xi32>
    %ge3A_591 = arith.cmpi sge, %select_n3A_588, %ge3A_590 : vector<16xi32>
    %sub3A_592 = arith.constant 50176 : i32
    %sub3A_593 = vector.broadcast %sub3A_592 : i32 to vector<16xi32>
    %sub3A_594 = arith.subi %select_n3A_588, %sub3A_593 : vector<16xi32>
    %select_n3A_595 = arith.select %ge3A_591, %sub3A_594, %select_n3A_588 : vector<16xi1>, vector<16xi32>
    %swap3A_596 = arith.constant 448 : index
    %swap3A_597 = tpu.vector_load %arg6[%swap3A_596] {strides = array<i32>} : memref<512xi32, #tpu.memory_space<vmem>>, vector<16xi32>,
    tpu.vector_store %arg6[%swap3A_596], %select_n3A_595 {strides = array<i32>} : memref<512xi32, #tpu.memory_space<vmem>>, vector<16xi32>,
    %get3A_598 = arith.constant 464 : index
    %get3A_599 = tpu.vector_load %arg5[%get3A_598] {strides = array<i32>} : memref<512xi32, #tpu.memory_space<vmem>>, vector<16xi32>,
    %eq3A_600 = arith.constant 0 : i32
    %eq3A_601 = vector.broadcast %eq3A_600 : i32 to vector<16xi32>
    %eq3A_602 = arith.cmpi eq, %get3A_599, %eq3A_601 : vector<16xi32>
    %sub3A_603 = arith.constant 1 : i32
    %sub3A_604 = vector.broadcast %sub3A_603 : i32 to vector<16xi32>
    %sub3A_605 = arith.subi %get3A_599, %sub3A_604 : vector<16xi32>
    %jit3A_606 = arith.constant 99999 : i32
    %broadcast_in_dim3A_607 = vector.broadcast %jit3A_606 : i32 to vector<16xi32>
    %select_n3A_608 = arith.select %eq3A_602, %broadcast_in_dim3A_607, %sub3A_605 : vector<16xi1>, vector<16xi32>
    %ge3A_609 = arith.constant 50176 : i32
    %ge3A_610 = vector.broadcast %ge3A_609 : i32 to vector<16xi32>
    %ge3A_611 = arith.cmpi sge, %select_n3A_608, %ge3A_610 : vector<16xi32>
    %sub3A_612 = arith.constant 50176 : i32
    %sub3A_613 = vector.broadcast %sub3A_612 : i32 to vector<16xi32>
    %sub3A_614 = arith.subi %select_n3A_608, %sub3A_613 : vector<16xi32>
    %select_n3A_615 = arith.select %ge3A_611, %sub3A_614, %select_n3A_608 : vector<16xi1>, vector<16xi32>
    %swap3A_616 = arith.constant 464 : index
    %swap3A_617 = tpu.vector_load %arg6[%swap3A_616] {strides = array<i32>} : memref<512xi32, #tpu.memory_space<vmem>>, vector<16xi32>,
    tpu.vector_store %arg6[%swap3A_616], %select_n3A_615 {strides = array<i32>} : memref<512xi32, #tpu.memory_space<vmem>>, vector<16xi32>,
    %get3A_618 = arith.constant 480 : index
    %get3A_619 = tpu.vector_load %arg5[%get3A_618] {strides = array<i32>} : memref<512xi32, #tpu.memory_space<vmem>>, vector<16xi32>,
    %eq3A_620 = arith.constant 0 : i32
    %eq3A_621 = vector.broadcast %eq3A_620 : i32 to vector<16xi32>
    %eq3A_622 = arith.cmpi eq, %get3A_619, %eq3A_621 : vector<16xi32>
    %sub3A_623 = arith.constant 1 : i32
    %sub3A_624 = vector.broadcast %sub3A_623 : i32 to vector<16xi32>
    %sub3A_625 = arith.subi %get3A_619, %sub3A_624 : vector<16xi32>
    %jit3A_626 = arith.constant 99999 : i32
    %broadcast_in_dim3A_627 = vector.broadcast %jit3A_626 : i32 to vector<16xi32>
    %select_n3A_628 = arith.select %eq3A_622, %broadcast_in_dim3A_627, %sub3A_625 : vector<16xi1>, vector<16xi32>
    %ge3A_629 = arith.constant 50176 : i32
    %ge3A_630 = vector.broadcast %ge3A_629 : i32 to vector<16xi32>
    %ge3A_631 = arith.cmpi sge, %select_n3A_628, %ge3A_630 : vector<16xi32>
    %sub3A_632 = arith.constant 50176 : i32
    %sub3A_633 = vector.broadcast %sub3A_632 : i32 to vector<16xi32>
    %sub3A_634 = arith.subi %select_n3A_628, %sub3A_633 : vector<16xi32>
    %select_n3A_635 = arith.select %ge3A_631, %sub3A_634, %select_n3A_628 : vector<16xi1>, vector<16xi32>
    %swap3A_636 = arith.constant 480 : index
    %swap3A_637 = tpu.vector_load %arg6[%swap3A_636] {strides = array<i32>} : memref<512xi32, #tpu.memory_space<vmem>>, vector<16xi32>,
    tpu.vector_store %arg6[%swap3A_636], %select_n3A_635 {strides = array<i32>} : memref<512xi32, #tpu.memory_space<vmem>>, vector<16xi32>,
    %get3A_638 = arith.constant 496 : index
    %get3A_639 = tpu.vector_load %arg5[%get3A_638] {strides = array<i32>} : memref<512xi32, #tpu.memory_space<vmem>>, vector<16xi32>,
    %eq3A_640 = arith.constant 0 : i32
    %eq3A_641 = vector.broadcast %eq3A_640 : i32 to vector<16xi32>
    %eq3A_642 = arith.cmpi eq, %get3A_639, %eq3A_641 : vector<16xi32>
    %sub3A_643 = arith.constant 1 : i32
    %sub3A_644 = vector.broadcast %sub3A_643 : i32 to vector<16xi32>
    %sub3A_645 = arith.subi %get3A_639, %sub3A_644 : vector<16xi32>
    %jit3A_646 = arith.constant 99999 : i32
    %broadcast_in_dim3A_647 = vector.broadcast %jit3A_646 : i32 to vector<16xi32>
    %select_n3A_648 = arith.select %eq3A_642, %broadcast_in_dim3A_647, %sub3A_645 : vector<16xi1>, vector<16xi32>
    %ge3A_649 = arith.constant 50176 : i32
    %ge3A_650 = vector.broadcast %ge3A_649 : i32 to vector<16xi32>
    %ge3A_651 = arith.cmpi sge, %select_n3A_648, %ge3A_650 : vector<16xi32>
    %sub3A_652 = arith.constant 50176 : i32
    %sub3A_653 = vector.broadcast %sub3A_652 : i32 to vector<16xi32>
    %sub3A_654 = arith.subi %select_n3A_648, %sub3A_653 : vector<16xi32>
    %select_n3A_655 = arith.select %ge3A_651, %sub3A_654, %select_n3A_648 : vector<16xi1>, vector<16xi32>
    %swap3A_656 = arith.constant 496 : index
    %swap3A_657 = tpu.vector_load %arg6[%swap3A_656] {strides = array<i32>} : memref<512xi32, #tpu.memory_space<vmem>>, vector<16xi32>,
    tpu.vector_store %arg6[%swap3A_656], %select_n3A_655 {strides = array<i32>} : memref<512xi32, #tpu.memory_space<vmem>>, vector<16xi32>,
    %dma_start3A_658 = arith.constant 384 : i32
    %dma_start3A_659 = arith.constant 0 : i32
    %dma_start3A_660 = tpu.memref_slice %arg7[%dma_start3A_658, %dma_start3A_659] : memref<512x128xf32, #tpu.memory_space<vmem>> -> memref<128x128xf32, #tpu.memory_space<vmem>>
    %dma_start3A_661 = arith.constant 384 : i32
    %dma_start3A_662 = tpu.memref_slice %arg6[%dma_start3A_661] : memref<512xi32, #tpu.memory_space<vmem>> -> memref<128xi32, #tpu.memory_space<vmem>>
    %dma_start3A_663 = arith.constant 0 : i32
    %dma_start3A_664 = arith.constant 0 : i32
    %dma_start3A_665 = tpu.memref_slice %arg3[%dma_start3A_663, %dma_start3A_664] : memref<50176x128xf32, #tpu.memory_space<hbm>> -> memref<50176x128xf32, #tpu.memory_space<hbm>>
    tpu.enqueue_indirect_dma source(%dma_start3A_665 : memref<50176x128xf32, #tpu.memory_space<hbm>>) target(%dma_start3A_660 : memref<128x128xf32, #tpu.memory_space<vmem>>) offsets(%dma_start3A_662 : memref<128xi32, #tpu.memory_space<vmem>>) semaphore(%arg8 : memref<!tpu.dma_semaphore, #tpu.memory_space<semaphore_mem>>)
    %dma_wait3A = arith.constant 0 : i32
    %dma_wait3A_666 = arith.constant 0 : i32
    %dma_wait3A_667 = tpu.memref_slice %arg7[%dma_wait3A, %dma_wait3A_666] : memref<512x128xf32, #tpu.memory_space<vmem>> -> memref<128x128xf32, #tpu.memory_space<vmem>>
    %dma_wait3A_668 = arith.constant 0 : i32
    %dma_wait3A_669 = tpu.memref_slice %arg6[%dma_wait3A_668] : memref<512xi32, #tpu.memory_space<vmem>> -> memref<128xi32, #tpu.memory_space<vmem>>
    %dma_wait3A_670 = arith.constant 0 : i32
    %dma_wait3A_671 = arith.constant 0 : i32
    %dma_wait3A_672 = tpu.memref_slice %arg3[%dma_wait3A_670, %dma_wait3A_671] : memref<50176x128xf32, #tpu.memory_space<hbm>> -> memref<50176x128xf32, #tpu.memory_space<hbm>>
    tpu.wait_indirect_dma semaphore(%arg8 : memref<!tpu.dma_semaphore, #tpu.memory_space<semaphore_mem>>) src(%dma_wait3A_672 : memref<50176x128xf32, #tpu.memory_space<hbm>>) dst(%dma_wait3A_667 : memref<128x128xf32, #tpu.memory_space<vmem>>)
    %dma_wait3A_673 = arith.constant 128 : i32
    %dma_wait3A_674 = arith.constant 0 : i32
    %dma_wait3A_675 = tpu.memref_slice %arg7[%dma_wait3A_673, %dma_wait3A_674] : memref<512x128xf32, #tpu.memory_space<vmem>> -> memref<128x128xf32, #tpu.memory_space<vmem>>
    %dma_wait3A_676 = arith.constant 128 : i32
    %dma_wait3A_677 = tpu.memref_slice %arg6[%dma_wait3A_676] : memref<512xi32, #tpu.memory_space<vmem>> -> memref<128xi32, #tpu.memory_space<vmem>>
    %dma_wait3A_678 = arith.constant 0 : i32
    %dma_wait3A_679 = arith.constant 0 : i32
    %dma_wait3A_680 = tpu.memref_slice %arg3[%dma_wait3A_678, %dma_wait3A_679] : memref<50176x128xf32, #tpu.memory_space<hbm>> -> memref<50176x128xf32, #tpu.memory_space<hbm>>
    tpu.wait_indirect_dma semaphore(%arg8 : memref<!tpu.dma_semaphore, #tpu.memory_space<semaphore_mem>>) src(%dma_wait3A_680 : memref<50176x128xf32, #tpu.memory_space<hbm>>) dst(%dma_wait3A_675 : memref<128x128xf32, #tpu.memory_space<vmem>>)
    %dma_wait3A_681 = arith.constant 256 : i32
    %dma_wait3A_682 = arith.constant 0 : i32
    %dma_wait3A_683 = tpu.memref_slice %arg7[%dma_wait3A_681, %dma_wait3A_682] : memref<512x128xf32, #tpu.memory_space<vmem>> -> memref<128x128xf32, #tpu.memory_space<vmem>>
    %dma_wait3A_684 = arith.constant 256 : i32
    %dma_wait3A_685 = tpu.memref_slice %arg6[%dma_wait3A_684] : memref<512xi32, #tpu.memory_space<vmem>> -> memref<128xi32, #tpu.memory_space<vmem>>
    %dma_wait3A_686 = arith.constant 0 : i32
    %dma_wait3A_687 = arith.constant 0 : i32
    %dma_wait3A_688 = tpu.memref_slice %arg3[%dma_wait3A_686, %dma_wait3A_687] : memref<50176x128xf32, #tpu.memory_space<hbm>> -> memref<50176x128xf32, #tpu.memory_space<hbm>>
    tpu.wait_indirect_dma semaphore(%arg8 : memref<!tpu.dma_semaphore, #tpu.memory_space<semaphore_mem>>) src(%dma_wait3A_688 : memref<50176x128xf32, #tpu.memory_space<hbm>>) dst(%dma_wait3A_683 : memref<128x128xf32, #tpu.memory_space<vmem>>)
    %dma_wait3A_689 = arith.constant 384 : i32
    %dma_wait3A_690 = arith.constant 0 : i32
    %dma_wait3A_691 = tpu.memref_slice %arg7[%dma_wait3A_689, %dma_wait3A_690] : memref<512x128xf32, #tpu.memory_space<vmem>> -> memref<128x128xf32, #tpu.memory_space<vmem>>
    %dma_wait3A_692 = arith.constant 384 : i32
    %dma_wait3A_693 = tpu.memref_slice %arg6[%dma_wait3A_692] : memref<512xi32, #tpu.memory_space<vmem>> -> memref<128xi32, #tpu.memory_space<vmem>>
    %dma_wait3A_694 = arith.constant 0 : i32
    %dma_wait3A_695 = arith.constant 0 : i32
    %dma_wait3A_696 = tpu.memref_slice %arg3[%dma_wait3A_694, %dma_wait3A_695] : memref<50176x128xf32, #tpu.memory_space<hbm>> -> memref<50176x128xf32, #tpu.memory_space<hbm>>
    tpu.wait_indirect_dma semaphore(%arg8 : memref<!tpu.dma_semaphore, #tpu.memory_space<semaphore_mem>>) src(%dma_wait3A_696 : memref<50176x128xf32, #tpu.memory_space<hbm>>) dst(%dma_wait3A_691 : memref<128x128xf32, #tpu.memory_space<vmem>>)
    "tpu.region"() ({
      %run_scoped3A = tpu.sem_alloc : memref<!tpu.dma_semaphore, #tpu.memory_space<semaphore_mem>>
      %dma_start3A_697 = arith.constant 0 : i32
      %dma_start3A_698 = tpu.memref_slice %arg4[%mul3A_2, %dma_start3A_697] : memref<16384x128xf32, #tpu.memory_space<hbm>> -> memref<512x128xf32, #tpu.memory_space<hbm>>
      %dma_start3A_699 = arith.constant 0 : i32
      %dma_start3A_700 = tpu.memref_slice %arg4[%mul3A_2, %dma_start3A_699] : memref<16384x128xf32, #tpu.memory_space<hbm>> -> memref<512x128xf32, #tpu.memory_space<hbm>>
      tpu.enqueue_dma source(%arg7 : memref<512x128xf32, #tpu.memory_space<vmem>>) target(%dma_start3A_700 : memref<512x128xf32, #tpu.memory_space<hbm>>) target_semaphore(%run_scoped3A : memref<!tpu.dma_semaphore, #tpu.memory_space<semaphore_mem>>)
      %dma_wait3A_701 = arith.constant 0 : i32
      %dma_wait3A_702 = tpu.memref_slice %arg4[%mul3A_2, %dma_wait3A_701] : memref<16384x128xf32, #tpu.memory_space<hbm>> -> memref<512x128xf32, #tpu.memory_space<hbm>>
      %dma_wait3A_703 = arith.constant 0 : i32
      %dma_wait3A_704 = tpu.memref_slice %arg4[%mul3A_2, %dma_wait3A_703] : memref<16384x128xf32, #tpu.memory_space<hbm>> -> memref<512x128xf32, #tpu.memory_space<hbm>>
      tpu.wait_dma2 semaphore(%run_scoped3A : memref<!tpu.dma_semaphore, #tpu.memory_space<semaphore_mem>>) src(%arg7 : memref<512x128xf32, #tpu.memory_space<vmem>>) dst(%dma_wait3A_704 : memref<512x128xf32, #tpu.memory_space<hbm>>)
      tpu.yield
    }) : () -> ()
    return
  }
}

module attributes {stable_mosaic.version = 14 : i64} {
  func.func @_unpack_body(%arg0: i32, %arg1: memref<8192xi32, #tpu.memory_space<vmem>>, %arg2: memref<8192x128xf32, #tpu.memory_space<vmem>>, %arg3: memref<64x8192xf32, #tpu.memory_space<vmem>>) attributes {dimension_semantics = [#tpu.dimension_semantics<arbitrary>], iteration_bounds = array<i64: 2>, scalar_prefetch = 0 : i64, scratch_operands = 0 : i64, tpu.core_type = #tpu.core_type<tc>, window_params = [{transform_indices = @transform_0, window_bounds = array<i64: 8192>}, {transform_indices = @transform_1, window_bounds = array<i64: 8192, 128>}, {transform_indices = @transform_2, window_bounds = array<i64: 64, 8192>}]} {
    %get3A = arith.constant 0 : index
    %get3A_0 = vector.load %arg1[%get3A] : memref<8192xi32, #tpu.memory_space<vmem>>, vector<8192xi32>
    %eq3A = arith.constant 0 : i32
    %eq3A_1 = vector.broadcast %eq3A : i32 to vector<8192xi32>
    %eq3A_2 = arith.cmpi eq, %get3A_0, %eq3A_1 : vector<8192xi32>
    %sub3A = arith.constant 1 : i32
    %sub3A_3 = vector.broadcast %sub3A : i32 to vector<8192xi32>
    %sub3A_4 = arith.subi %get3A_0, %sub3A_3 : vector<8192xi32>
    %jit3A = arith.constant 99999 : i32
    %broadcast_in_dim3A = vector.broadcast %jit3A : i32 to vector<8192xi32>
    %select_n3A = arith.select %eq3A_2, %broadcast_in_dim3A, %sub3A_4 : vector<8192xi1>, vector<8192xi32>
    %ge3A = arith.constant 50176 : i32
    %ge3A_5 = vector.broadcast %ge3A : i32 to vector<8192xi32>
    %ge3A_6 = arith.cmpi sge, %select_n3A, %ge3A_5 : vector<8192xi32>
    %get3A_7 = arith.constant 0 : index
    %get3A_8 = arith.constant 0 : index
    %get3A_9 = vector.load %arg2[%get3A_7, %get3A_8] : memref<8192x128xf32, #tpu.memory_space<vmem>>, vector<8192x128xf32>
    %transpose3A = tpu.transpose %get3A_9, [1, 0] : vector<8192x128xf32> -> vector<128x8192xf32>
    %broadcast_in_dim3A_10 = vector.shape_cast %ge3A_6 : vector<8192xi1> to vector<1x8192xi1>
    %slice3A = vector.extract_strided_slice %transpose3A {offsets = [64, 0], sizes = [64, 8192], strides = [1, 1]} : vector<128x8192xf32> to vector<64x8192xf32>
    %slice3A_11 = vector.extract_strided_slice %transpose3A {offsets = [0, 0], sizes = [64, 8192], strides = [1, 1]} : vector<128x8192xf32> to vector<64x8192xf32>
    %broadcast_in_dim3A_12 = vector.shape_cast %broadcast_in_dim3A_10 : vector<1x8192xi1> to vector<1x8192xi1>
    %broadcast_in_dim3A_13 = vector.broadcast %broadcast_in_dim3A_12 : vector<1x8192xi1> to vector<64x8192xi1>
    %select_n3A_14 = arith.select %broadcast_in_dim3A_13, %slice3A, %slice3A_11 : vector<64x8192xi1>, vector<64x8192xf32>
    %swap3A = arith.constant 0 : index
    %swap3A_15 = arith.constant 0 : index
    %swap3A_16 = vector.load %arg3[%swap3A, %swap3A_15] : memref<64x8192xf32, #tpu.memory_space<vmem>>, vector<64x8192xf32>
    tpu.vector_store %arg3[%swap3A, %swap3A_15], %select_n3A_14 {strides = array<i32>} : memref<64x8192xf32, #tpu.memory_space<vmem>>, vector<64x8192xf32>,
    return
  }
  func.func @transform_0(%arg0: i32) -> i32 {
    %c0_i32 = arith.constant 0 : i32
    return %arg0 : i32
  }
  func.func @transform_1(%arg0: i32) -> (i32, i32) {
    %c0_i32 = arith.constant 0 : i32
    %c0_i32_0 = arith.constant 0 : i32
    return %arg0, %c0_i32 : i32, i32
  }
  func.func @transform_2(%arg0: i32) -> (i32, i32) {
    %c0_i32 = arith.constant 0 : i32
    %c0_i32_0 = arith.constant 0 : i32
    return %c0_i32, %arg0 : i32, i32
  }
}

module attributes {stable_mosaic.version = 14 : i64} {
  func.func @_pack_body(%arg0: i32, %arg1: memref<64x12544xf32, #tpu.memory_space<vmem>>, %arg2: memref<64x12544xf32, #tpu.memory_space<vmem>>, %arg3: memref<12544x128xf32, #tpu.memory_space<vmem>>) attributes {dimension_semantics = [#tpu.dimension_semantics<arbitrary>], iteration_bounds = array<i64: 4>, scalar_prefetch = 0 : i64, scratch_operands = 0 : i64, tpu.core_type = #tpu.core_type<tc>, window_params = [{transform_indices = @transform_0, window_bounds = array<i64: 64, 12544>}, {transform_indices = @transform_1, window_bounds = array<i64: 64, 12544>}, {transform_indices = @transform_2, window_bounds = array<i64: 12544, 128>}]} {
    %get3A = arith.constant 0 : index
    %get3A_0 = arith.constant 0 : index
    %get3A_1 = vector.load %arg1[%get3A, %get3A_0] : memref<64x12544xf32, #tpu.memory_space<vmem>>, vector<64x12544xf32>
    %transpose3A = tpu.transpose %get3A_1, [1, 0] : vector<64x12544xf32> -> vector<12544x64xf32>
    %swap3A = arith.constant 0 : index
    %swap3A_2 = arith.constant 0 : index
    %swap3A_3 = vector.load %arg3[%swap3A, %swap3A_2] : memref<12544x128xf32, #tpu.memory_space<vmem>>, vector<12544x64xf32>
    tpu.vector_store %arg3[%swap3A, %swap3A_2], %transpose3A {strides = array<i32>} : memref<12544x128xf32, #tpu.memory_space<vmem>>, vector<12544x64xf32>,
    %get3A_4 = arith.constant 0 : index
    %get3A_5 = arith.constant 0 : index
    %get3A_6 = vector.load %arg2[%get3A_4, %get3A_5] : memref<64x12544xf32, #tpu.memory_space<vmem>>, vector<64x12544xf32>
    %transpose3A_7 = tpu.transpose %get3A_6, [1, 0] : vector<64x12544xf32> -> vector<12544x64xf32>
    %swap3A_8 = arith.constant 0 : index
    %swap3A_9 = arith.constant 64 : index
    %swap3A_10 = vector.load %arg3[%swap3A_8, %swap3A_9] : memref<12544x128xf32, #tpu.memory_space<vmem>>, vector<12544x64xf32>
    tpu.vector_store %arg3[%swap3A_8, %swap3A_9], %transpose3A_7 {strides = array<i32>} : memref<12544x128xf32, #tpu.memory_space<vmem>>, vector<12544x64xf32>,
    return
  }
  func.func @transform_0(%arg0: i32) -> (i32, i32) {
    %c0_i32 = arith.constant 0 : i32
    %c0_i32_0 = arith.constant 0 : i32
    return %c0_i32, %arg0 : i32, i32
  }
  func.func @transform_1(%arg0: i32) -> (i32, i32) {
    %add3A = arith.constant 4 : i32
    %add3A_0 = arith.addi %arg0, %add3A : i32
    %c0_i32 = arith.constant 0 : i32
    %c0_i32_1 = arith.constant 0 : i32
    return %c0_i32, %add3A_0 : i32, i32
  }
  func.func @transform_2(%arg0: i32) -> (i32, i32) {
    %c0_i32 = arith.constant 0 : i32
    %c0_i32_0 = arith.constant 0 : i32
    return %arg0, %c0_i32 : i32, i32
  }
}

</mosaic_0001>

<sc_bundles>
// kernel: kernel.5.cloned.1.call-start
scs
__scs_entry_jumppad:
0x0: {  	(pc) =	sbr.rel $0x88, $3  }
0x1: {  	(tag) =	ssettag $0x0;
	lr =	simm.s32 $0x1  }
0x2: {  	[smem:$0x3F9F] =	sst lr;
	_ =	strace $0xD0000000  }
0x3: {  	_ = 	snop  }
0x4: {  	_ = 	snop  }
0x5: {  	_ = 	snop  }
0x6: {  	_ = 	snop  }
0x7: {  	_ = 	snop  }
__scs_overlays_trampoline_lowered:
0x8: {  	[smem:$0x3FAE] =	sst s0  }
0x9: {  	[smem:$0x3FAF] =	sst s1  }
0xa: {  	[smem:$0x3FB0] =	sst s2  }
0xb: {  	[smem:$0x3FB1] =	sst s3  }
0xc: {  	[smem:$0x3FB2] =	sst s4  }
0xd: {  	[smem:$0x3FB3] =	sst s5  }
0xe: {  	[smem:$0x3FB4] =	sst s6  }
0xf: {  	[smem:$0x3FB5] =	sst s7  }
0x10: {  	[smem:$0x3FB6] =	sst s8  }
0x11: {  	[smem:$0x3FB7] =	sst s9;
	s0 =	simm.s32 @!p0 $0x0  }
0x12: {  	s1 =	sld [smem:$0x3F9D];
	s0 =	simm.s32 @p0 $0x1  }
0x13: {  	[smem:$0x3FB8] =	sst s0;
	s0 =	simm.s32 @!p1 $0x0  }
0x14: {  	s2 =	sld [smem:$0x3F9C];
	s0 =	simm.s32 @p1 $0x1  }
0x15: {  	[smem:$0x3FB9] =	sst s0;
	s0 =	simm.s32 @!p2 $0x0  }
0x16: {  	s3 =	sld [smem:$0x3FDB];
	s0 =	simm.s32 @p2 $0x1  }
0x17: {  	s4 =	simm.s32 $0x1BF5;
	[smem:$0x3FBB] =	sst s0  }
0x18: {  	s0 =	sld [smem:$0x3F9E];
	_ =	swait.ge [sflag:s4], $0x0  }
0x19: {  	s7 =	sld [smem:$0x3F9F]  }
0x1a: {  	s8 =	sadd.s32 $0xFFFFE003, lr  }
0x1b: {  	s9 =	sadd.s32 $0xFFFFFEF7, lr;
	s5 =	simm.s32 $0xFFFFFFFF;
	p2 =	slt.u32 s8, $0xFFFFF086  }
0x1c: {  	p1 =	slt.u32 s9, $0xF7A;
	s5 =	simm.s32 @!p2 $0x0  }
0x1d: {  	s5 =	simm.s32 @p1 $0x1;
	p0 =	seq.s32 s7, s2  }
0x1e: {  	s7 =	smul.u32 @!p0 $0xF7A, s2;
	p2 =	seq.s32 @!p0 s5, $0x0  }
0x1f: {  	s9 =	smul.u32 $0xF7A, s1;
	s8 =	simm.s32 @!p0 $0x1BF5;
	p2 =	por !p2, p0  }
0x20: {  	[sflag:s8] =	ssyncset.s32 @!p0 $0xFFFFF086;
	s6 =	sadd.s32 @!p0 s3, s7;
	s7 =	simm.s32 @!p0 $0x108  }
0x21: {  	s3 =	sadd.s32 s3, s9;
	s6 =	sadd.s32 @!p0 $0x88, s6;
	s7 =	simm.s32 @p2 $0x1082  }
0x22: {  	[simem:s7], [sflag:s8] =	dma.local @!p0 [hbm:s6], $0xF7A  }
0x23: {  	s9 =	sor.u32 $0xD0000000, s2;
	s6 =	simm.s32 $0x108;
	_ =	swait.ge @!p0 [sflag:s8], $0x0  }
0x24: {  	s3 =	sadd.s32 $0x88, s3;
	s6 =	simm.s32 @!p1 $0x1082;
	[sflag:s4] =	ssyncset.s32 $0xFFFFF086  }
0x25: {  	[simem:s6], [sflag:s4] =	dma.local [hbm:s3], $0xF7A  }
0x26: {  	[smem:$0x3F9F] =	sst s1;
	(tag) =	ssettag s2;
	_ =	strace s9  }
0x27: {  	s1 =	sld [smem:$0x3FAF]  }
0x28: {  	s2 =	sld [smem:$0x3FB0]  }
0x29: {  	s4 =	sld [smem:$0x3FB2]  }
0x2a: {  	p0 =	seq.s32 s5, $0x0;
	s5 =	sld [smem:$0x3FB3]  }
0x2b: {  	s6 =	sld [smem:$0x3FB4]  }
0x2c: {  	s7 =	sld [smem:$0x3FB5]  }
0x2d: {  	s3 =	simm.s32 $0x108;
	s8 =	sld [smem:$0x3FB6]  }
0x2e: {  	s3 =	simm.s32 @!p0 $0x1082;
	s9 =	sld [smem:$0x3FB7]  }
0x2f: {  	lr =	sadd.s32 s0, s3;
	s0 =	sld [smem:$0x3FAE]  }
0x30: {  	s3 =	sld [smem:$0x3FB1]  }
0x31: {  	[smem:$0x3FBA] =	sst s10  }
0x32: {  	s10 =	sld [smem:$0x3FB8];
	_ =	sdelay $0x3  }
0x33: {  	p0 =	seq.s32 s10, $0x1;
	s10 =	sld [smem:$0x3FBA];
	_ =	sdelay $0x3  }
0x34: {  	[smem:$0x3FBA] =	sst s10  }
0x35: {  	s10 =	sld [smem:$0x3FB9];
	_ =	sdelay $0x3  }
0x36: {  	p1 =	seq.s32 s10, $0x1;
	s10 =	sld [smem:$0x3FBA];
	_ =	sdelay $0x3  }
0x37: {  	[smem:$0x3FBA] =	sst s10  }
0x38: {  	s10 =	sld [smem:$0x3FBB]  }
0x39: {  	_ = 	snop;
	(pc) =	sbr.ind lr, $3  }
0x3a: {  	_ = 	snop  }
0x3b: {  	_ = 	snop  }
0x3c: {  	p2 =	seq.s32 s10, $0x1;
	s10 =	sld [smem:$0x3FBA]  }
0x3d: {  	_ =	shalt  }
0x3e: {  	_ =	shalt  }
0x3f: {  	_ =	shalt  }
0x40: {  	_ =	shalt  }
0x41: {  	_ =	shalt  }
0x42: {  	_ =	shalt  }
0x43: {  	_ =	shalt  }
0x44: {  	_ =	shalt  }
0x45: {  	_ =	shalt  }
0x46: {  	_ =	shalt  }
0x47: {  	_ =	shalt  }
0x48: {  	_ =	shalt  }
0x49: {  	_ =	shalt  }
0x4a: {  	_ =	shalt  }
0x4b: {  	_ =	shalt  }
0x4c: {  	_ =	shalt  }
0x4d: {  	_ =	shalt  }
0x4e: {  	_ =	shalt  }
0x4f: {  	_ =	shalt  }
0x50: {  	_ =	shalt  }
0x51: {  	_ =	shalt  }
0x52: {  	_ =	shalt  }
0x53: {  	_ =	shalt  }
0x54: {  	_ =	shalt  }
0x55: {  	_ =	shalt  }
0x56: {  	_ =	shalt  }
0x57: {  	_ =	shalt  }
0x58: {  	_ =	shalt  }
0x59: {  	_ =	shalt  }
0x5a: {  	_ =	shalt  }
0x5b: {  	_ =	shalt  }
0x5c: {  	_ =	shalt  }
0x5d: {  	_ =	shalt  }
0x5e: {  	_ =	shalt  }
0x5f: {  	_ =	shalt  }
0x60: {  	_ =	shalt  }
0x61: {  	_ =	shalt  }
0x62: {  	_ =	shalt  }
0x63: {  	_ =	shalt  }
0x64: {  	_ =	shalt  }
0x65: {  	_ =	shalt  }
0x66: {  	_ =	shalt  }
0x67: {  	_ =	shalt  }
0x68: {  	_ =	shalt  }
0x69: {  	_ =	shalt  }
0x6a: {  	_ =	shalt  }
0x6b: {  	_ =	shalt  }
0x6c: {  	_ =	shalt  }
0x6d: {  	_ =	shalt  }
0x6e: {  	_ =	shalt  }
0x6f: {  	_ =	shalt  }
0x70: {  	_ =	shalt  }
0x71: {  	_ =	shalt  }
0x72: {  	_ =	shalt  }
0x73: {  	_ =	shalt  }
0x74: {  	_ =	shalt  }
0x75: {  	_ =	shalt  }
0x76: {  	_ =	shalt  }
0x77: {  	_ =	shalt  }
0x78: {  	_ =	shalt  }
0x79: {  	_ =	shalt  }
0x7a: {  	_ =	shalt  }
0x7b: {  	_ =	shalt  }
0x7c: {  	_ =	shalt  }
0x7d: {  	_ =	shalt  }
0x7e: {  	_ =	shalt  }
0x7f: {  	_ =	shalt  }
0x80: {  	_ =	shalt  }
0x81: {  	_ =	shalt  }
0x82: {  	_ =	shalt  }
0x83: {  	_ =	shalt  }
0x84: {  	_ =	shalt  }
0x85: {  	_ =	shalt  }
0x86: {  	_ =	shalt  }
0x87: {  	_ =	shalt  }
.Lfunc_end0:
.L_simem_size_0:
called_computation_lowered:
.L_overlay_start_0:
0x88: {  	s2 =	sld [smem:$0x3FD9]  }
0x89: {  	s3 =	sld [smem:$0x3FFE];
	_ =	sdelay $0x1  }
0x8a: {  	s1 =	srdreg.scid  }
0x8b: {  	s0 =	sand.u32 $0x1, s1  }
0x8c: {  	s17 =	sshll.u32 s0, $0xA;
	s2 =	sadd.s32 s3, s2  }
0x8d: {  	s2 =	sadd.s32 s2, s17  }
0x8e: {  	[smem:$0x3FC6] =	sst s2  }
0x8f: {  	_ = 	snop  }
0x90: {  	s2 =	sld [smem:$0x3FC8];
	(tm) =	ssettm $0x1  }
0x91: {  	s18 =	sld [smem:$0x3FFB];
	_ =	sdelay $0x3  }
0x92: {  	_ =	strace s18  }
0x93: {  	s3 =	sld [smem:$0x3FFC];
	_ =	sdelay $0x3  }
0x94: {  	_ =	strace s3  }
0x95: {  	s3 =	sld [smem:$0x3FFD];
	_ =	sdelay $0x3  }
0x96: {  	_ =	strace s3  }
0x97: {  	_ =	strace $0x8FFFFFFF  }
0x98: {  	s19 =	sld [smem:$0x3FDB];
	_ =	sdelay $0x1  }
0x99: {  	s4 =	simm.s32 $_scs_section_size  }
0x9a: {  	s5 =	simm.s32 $_size__tile_overlayer_lowered;
	s6 =	simm.s32 $_tile_overlayer_lowered  }
0x9b: {  	s22 =	simm.s32 $0x1BFF;
	s21 =	sshll.u32 s6, $0x1;
	s3 =	sadd.s32 s4, s19  }
0x9c: {  	s7 =	simm.s32 $0x0;
	s20 =	sshll.u32 s5, $0x1;
	s5 =	sadd.s32 s21, s3  }
0x9d: {  	[timem:s7], [sflag:s22] =	dma.local [hbm:s5], s20  }
0x9e: {  	_ =	swait.ge [sflag:s22], s20  }
0x9f: {  	s4 =	ssub.s32 $0x0, s20;
	[sflag:s22] =	ssyncset.done $0x0  }
0xa0: {  	[sflag:s22] =	ssyncadd.s32 s4;
	_ =	sdelay $0x1  }
0xa1: {  	s23 =	simm.s32 $0x1B8B  }
0xa2: {  	_ =	swait.ge [sflag:s23], $0x1  }
0xa3: {  	[sflag:s23] =	ssyncset.done $0x0  }
0xa4: {  	s25 =	simm.s32 $0x1B8E;
	s24 =	sld [smem:$0x3FFE];
	[sflag:s23] =	ssyncadd.s32 $0xFFFFFFFF  }
0xa5: {  	s26 =	simm.s32 $execute0_lowered;
	[smem:$0x3FD2] =	sst s25  }
0xa6: {  	s5 =	sshll.u32 s26, $0x1;
	_ =	strace $0x80000046;
	[dreg:$0x1] =	wrdreg $0xFFFFFFFF  }
0xa7: {  	s28 =	simm.s32 $_size_execute0_lowered;
	s3 =	sadd.s32 s3, s5;
	[dreg:$0x0] =	wrdreg $0x0  }
0xa8: {  	s5 =	sshll.u32 s28, $0x1;
	[dreg:$0x2] =	wrdreg s3  }
0xa9: {  	[dreg:$0x3] =	wrdreg s5  }
0xaa: {  	[dreg:$0x4] =	wrdreg $0xC0  }
0xab: {  	_ =	task [dreg:s7], $0x5FFFF  }
0xac: {  	[dreg:$0x1] =	wrdreg $0xFFFFFFFF  }
0xad: {  	[dreg:$0x0] =	wrdreg $0x60  }
0xae: {  	[dreg:$0x2] =	wrdreg s2  }
0xaf: {  	[dreg:$0x3] =	wrdreg s24  }
0xb0: {  	[dreg:$0x4] =	wrdreg $0x9  }
0xb1: {  	_ =	task.clear_ibuf [dreg:s7], $0x5FFFF;
	_ =	strace $0x90000046  }
0xb2: {  	s29 =	simm.s32 $0x9;
	_ =	strace $0x80000048  }
0xb3: {  	_ =	swait.ge [sflag:s29], $0x1  }
0xb4: {  	[sflag:s29] =	ssyncadd.s32 $0xFFFFFFFF  }
0xb5: {  	_ =	strace $0x90000048  }
0xb6: {  	_ =	sfence  }
0xb7: {  	s30 =	sld [smem:$0x0];
	_ =	sdelay $0x2  }
0xb8: {  	s31 =	sshll.u32 s1, $0xD;
	s1 =	sshrl.u32 s1, $0x2  }
0xb9: {  	s3 =	sand.u32 $0x4000, s31;
	s1 =	sadd.s32 s1, s30  }
0xba: {  	s0 =	sor.u32 s3, s0;
	s1 =	sshll.u32 s1, $0x11  }
0xbb: {  	s0 =	sor.u32 s1, s0  }
0xbc: {  	s0 =	sadd.s32 $0x8F2B, s0  }
0xbd: {  	[sflag:s0] =	ssyncadd.remote.s32 $0x1  }
0xbe: {  	_ =	sfence.sel $0xFFFF  }
0xbf: {  	[dreg:$0x0] =	wrdreg $0xFFFFFFFF;
	(pc) =	sbr.abs _section_cstart, $3  }
0xc0: {  	[dreg:$0x1] =	wrdreg $0xFFFFFFFF  }
0xc1: {  	_ =	task.clear_ibuf [dreg:s7], $0x2FFFF;
	_ =	strace $0x9FFFFFFF  }
0xc2: {  	(tm) =	ssettm $0x7FFFFFFF  }
0xc3: {  	_ =	shalt  }
tec
execute0_lowered:
.L_overlay_start_1:
0x0: {  	(tag) =	ssettag $0x1  }
0x1: {  	s4 =	rddreg [dreg:$0x0]  }
0x2: {  	s5 =	rddreg [dreg:$0x1]  }
0x3: {  	s0 =	rddreg [dreg:$0x2]  }
0x4: {  	s3 =	srdreg.scid;
	s2 =	simm.s32 $0x0;
	s1 =	stileid.u32  }
0x5: {  	s9 =	simm.s32 $0x200;
	s10 =	simm.s32 $0x400;
	s11 =	simm.s32 $0x280  }
0x6: {  	s12 =	simm.s32 $0x4400;
	s13 =	simm.s32 $0x300;
	s14 =	simm.s32 $0x8400  }
0x7: {  	s15 =	simm.s32 $0x380;
	s16 =	simm.s32 $0xC400;
	s17 =	simm.s32 $0x1  }
0x8: {  	s6 =	sand.u32 $0x1, s3;
	[smem:$0x7FF] =	sst s2;
	s30 =	sshll.u32 s1, $0xA  }
0x9: {  	s3 =	sadd.s32 $0x800, s5;
	s7 =	sshll.u32 s6, $0x9;
	s6 =	ssub.s32 $0x2, s6  }
0xa: {  	_ =	strace $0x80000047;
	s7 =	sor.u32 s7, s30;
	s31 =	sshrl.u32 s6, $0x1  }
0xb: {  	s8 =	sshll.u32 s7, $0x4;
	s7 =	sshrl.u32 s7, $0x3;
	s6 =	ssub.s32 s6, s31  }
0xc: {  	s5 =	sadd.s32 s8, s5;
	s4 =	sadd.s32 s4, s7;
	s6 =	smax.u32 s6, $0x1  }
0xd: {  	s7 =	simm.s32 $0x2;
	s8 =	simm.s32 $0x80;
	s5 =	sadd.s32 $0xC4800, s5  }
.LBB2_1:
0xe: {  	[tilespmem:s2], [sflag:$0x2] =	stream.linear.gather [hbm4b:s4+s2], $0x200, $0x38;
	[tilespmem:$0x10400] =	vst v63  }
0xf: {  	_ =	swait.ge [sflag:s7], $0x200  }
0x10: {  	[sflag:s7] =	ssyncset.done $0x0  }
0x11: {  	[sflag:s7] =	ssyncadd.s32 $0xFFFFFE00  }
0x12: {  	v0 =	vld [tilespmem:$0x0]  }
0x13: {  	v1 =	vld [tilespmem:$0x10]  }
0x14: {  	v2 =	vld [tilespmem:$0x20]  }
0x15: {  	v3 =	vld [tilespmem:$0x30]  }
0x16: {  	v5 =	vld [tilespmem:$0x40]  }
0x17: {  	v37 =	vld [tilespmem:$0x50]  }
0x18: {  	v7 =	vld [tilespmem:$0x60]  }
0x19: {  	v39 =	vld [tilespmem:$0x70]  }
0x1a: {  	vm0 =	veq.s32 v0, $0x0;
	v0 =	vadd.s32 $0xFFFFFFFF, v0  }
0x1b: {  	vm13 =	veq.s32 v1, $0x0;
	v1 =	vadd.s32 $0xFFFFFFFF, v1;
	vm4 =	veq.s32 v2, $0x0  }
0x1c: {  	v2 =	vadd.s32 $0xFFFFFFFF, v2;
	vm5 =	veq.s32 v3, $0x0;
	v3 =	vadd.s32 $0xFFFFFFFF, v3  }
0x1d: {  	vm8 =	veq.s32 v5, $0x0;
	v5 =	vadd.s32 $0xFFFFFFFF, v5;
	vm9 =	veq.s32 v37, $0x0  }
0x1e: {  	vm12 =	veq.s32 v7, $0x0;
	v44 =	vadd.s32 $0xFFFFFFFF, v7;
	v45 =	vadd.s32 $0xFFFFFFFF, v39  }
0x1f: {  	v0 =	vsel vm0, $0x1869F, v0;
	v1 =	vsel vm13, $0x1869F, v1;
	v2 =	vsel vm4, $0x1869F, v2  }
0x20: {  	v3 =	vsel vm5, $0x1869F, v3;
	v5 =	vsel vm8, $0x1869F, v5;
	vm13 =	veq.s32 v39, $0x0  }
0x21: {  	vm14 =	vgt.s32 v0, $0xC3FF;
	v4 =	vadd.s32 $0xFFFF3C00, v0;
	vm15 =	vgt.s32 v1, $0xC3FF  }
0x22: {  	v36 =	vadd.s32 $0xFFFF3C00, v1;
	vm6 =	vgt.s32 v2, $0xC3FF;
	v6 =	vadd.s32 $0xFFFF3C00, v2  }
0x23: {  	vm7 =	vgt.s32 v3, $0xC3FF;
	v38 =	vadd.s32 $0xFFFF3C00, v3;
	v0 =	vsel vm14, v4, v0  }
0x24: {  	vm10 =	vgt.s32 v5, $0xC3FF;
	v41 =	vadd.s32 $0xFFFF3C00, v5;
	v1 =	vsel vm15, v36, v1;
	[tilespmem:$0x200] =	vst v0  }
0x25: {  	v46 =	vsel vm13, $0x1869F, v45;
	v2 =	vsel vm6, v6, v2;
	v3 =	vsel vm7, v38, v3;
	[tilespmem:$0x210] =	vst v1  }
0x26: {  	v4 =	vadd.s32 $0xFFFFFFFF, v37;
	v42 =	vsel vm10, v41, v5;
	vm15 =	vgt.s32 v46, $0xC3FF;
	[tilespmem:$0x220] =	vst v2  }
0x27: {  	v49 =	vadd.s32 $0xFFFF3C00, v46;
	v40 =	vsel vm9, $0x1869F, v4;
	[tilespmem:$0x230] =	vst v3;
	v2 =	vsel vm12, $0x1869F, v44  }
0x28: {  	[tilespmem:$0x240] =	vst v42;
	v50 =	vsel vm15, v49, v46;
	vm11 =	vgt.s32 v40, $0xC3FF;
	v43 =	vadd.s32 $0xFFFF3C00, v40  }
0x29: {  	vm14 =	vgt.s32 v2, $0xC3FF;
	v47 =	vadd.s32 $0xFFFF3C00, v2;
	[tilespmem:$0x270] =	vst v50;
	v0 =	vsel vm11, v43, v40  }
0x2a: {  	v48 =	vsel vm14, v47, v2;
	[tilespmem:$0x250] =	vst v0  }
0x2b: {  	[tilespmem:$0x260] =	vst v48  }
0x2c: {  	[tilespmem:s10], [sflag:$0x1] =	stream.indirect.gather [hbm4b:s3+s8], $0x80, s9, s8, $0xb8;
	[tilespmem:$0x10400] =	vst v63  }
0x2d: {  	v51 =	vld [tilespmem:$0x80]  }
0x2e: {  	v52 =	vld [tilespmem:$0x90]  }
0x2f: {  	v53 =	vld [tilespmem:$0xA0]  }
0x30: {  	v54 =	vld [tilespmem:$0xB0]  }
0x31: {  	v57 =	vld [tilespmem:$0xC0]  }
0x32: {  	v58 =	vld [tilespmem:$0xD0]  }
0x33: {  	v61 =	vld [tilespmem:$0xE0]  }
0x34: {  	v62 =	vld [tilespmem:$0xF0]  }
0x35: {  	vm4 =	veq.s32 v51, $0x0;
	v0 =	vadd.s32 $0xFFFFFFFF, v51  }
0x36: {  	vm5 =	veq.s32 v52, $0x0;
	v1 =	vadd.s32 $0xFFFFFFFF, v52;
	vm8 =	veq.s32 v53, $0x0  }
0x37: {  	v2 =	vadd.s32 $0xFFFFFFFF, v53;
	vm9 =	veq.s32 v54, $0x0;
	v3 =	vadd.s32 $0xFFFFFFFF, v54  }
0x38: {  	vm12 =	veq.s32 v57, $0x0;
	v5 =	vadd.s32 $0xFFFFFFFF, v57;
	vm13 =	veq.s32 v58, $0x0  }
0x39: {  	v4 =	vadd.s32 $0xFFFFFFFF, v58;
	v11 =	vadd.s32 $0xFFFFFFFF, v61;
	v12 =	vadd.s32 $0xFFFFFFFF, v62  }
0x3a: {  	v0 =	vsel vm4, $0x1869F, v0;
	v1 =	vsel vm5, $0x1869F, v1;
	v2 =	vsel vm8, $0x1869F, v2  }
0x3b: {  	v3 =	vsel vm9, $0x1869F, v3;
	v5 =	vsel vm12, $0x1869F, v5;
	v63 =	vsel vm13, $0x1869F, v4  }
0x3c: {  	vm4 =	veq.s32 v61, $0x0;
	vm5 =	veq.s32 v62, $0x0;
	vm6 =	vgt.s32 v0, $0xC3FF  }
0x3d: {  	v55 =	vadd.s32 $0xFFFF3C00, v0;
	vm7 =	vgt.s32 v1, $0xC3FF;
	v56 =	vadd.s32 $0xFFFF3C00, v1  }
0x3e: {  	vm10 =	vgt.s32 v2, $0xC3FF;
	v59 =	vadd.s32 $0xFFFF3C00, v2;
	v0 =	vsel vm6, v55, v0  }
0x3f: {  	vm11 =	vgt.s32 v3, $0xC3FF;
	v60 =	vadd.s32 $0xFFFF3C00, v3;
	v1 =	vsel vm7, v56, v1;
	[tilespmem:$0x280] =	vst v0  }
0x40: {  	vm14 =	vgt.s32 v5, $0xC3FF;
	v8 =	vadd.s32 $0xFFFF3C00, v5;
	v2 =	vsel vm10, v59, v2;
	[tilespmem:$0x290] =	vst v1  }
0x41: {  	vm15 =	vgt.s32 v63, $0xC3FF;
	v13 =	vsel vm5, $0x1869F, v12;
	v3 =	vsel vm11, v60, v3;
	[tilespmem:$0x2A0] =	vst v2  }
0x42: {  	v10 =	vadd.s32 $0xFFFF3C00, v63;
	v9 =	vsel vm14, v8, v5;
	vm7 =	vgt.s32 v13, $0xC3FF;
	[tilespmem:$0x2B0] =	vst v3  }
0x43: {  	v16 =	vadd.s32 $0xFFFF3C00, v13;
	v0 =	vsel vm15, v10, v63;
	v2 =	vsel vm4, $0x1869F, v11;
	[tilespmem:$0x2C0] =	vst v9  }
0x44: {  	v17 =	vsel vm7, v16, v13;
	vm6 =	vgt.s32 v2, $0xC3FF;
	v14 =	vadd.s32 $0xFFFF3C00, v2;
	[tilespmem:$0x2D0] =	vst v0  }
0x45: {  	[tilespmem:$0x2F0] =	vst v17;
	v15 =	vsel vm6, v14, v2  }
0x46: {  	[tilespmem:$0x2E0] =	vst v15  }
0x47: {  	[tilespmem:s12], [sflag:$0x1] =	stream.indirect.gather [hbm4b:s3+s8], $0x80, s11, s8, $0xb8;
	[tilespmem:$0x10400] =	vst v63  }
0x48: {  	v18 =	vld [tilespmem:$0x100]  }
0x49: {  	v19 =	vld [tilespmem:$0x110]  }
0x4a: {  	v20 =	vld [tilespmem:$0x120]  }
0x4b: {  	v21 =	vld [tilespmem:$0x130]  }
0x4c: {  	v24 =	vld [tilespmem:$0x140]  }
0x4d: {  	v25 =	vld [tilespmem:$0x150]  }
0x4e: {  	v28 =	vld [tilespmem:$0x160]  }
0x4f: {  	v29 =	vld [tilespmem:$0x170]  }
0x50: {  	vm8 =	veq.s32 v18, $0x0;
	v0 =	vadd.s32 $0xFFFFFFFF, v18  }
0x51: {  	vm9 =	veq.s32 v19, $0x0;
	v1 =	vadd.s32 $0xFFFFFFFF, v19;
	vm12 =	veq.s32 v20, $0x0  }
0x52: {  	v2 =	vadd.s32 $0xFFFFFFFF, v20;
	vm13 =	veq.s32 v21, $0x0;
	v3 =	vadd.s32 $0xFFFFFFFF, v21  }
0x53: {  	vm4 =	veq.s32 v24, $0x0;
	v5 =	vadd.s32 $0xFFFFFFFF, v24;
	vm5 =	veq.s32 v25, $0x0  }
0x54: {  	v4 =	vadd.s32 $0xFFFFFFFF, v25;
	v34 =	vadd.s32 $0xFFFFFFFF, v28;
	v35 =	vadd.s32 $0xFFFFFFFF, v29  }
0x55: {  	v0 =	vsel vm8, $0x1869F, v0;
	v1 =	vsel vm9, $0x1869F, v1;
	v2 =	vsel vm12, $0x1869F, v2  }
0x56: {  	v3 =	vsel vm13, $0x1869F, v3;
	v5 =	vsel vm4, $0x1869F, v5;
	v30 =	vsel vm5, $0x1869F, v4  }
0x57: {  	vm8 =	veq.s32 v28, $0x0;
	vm9 =	veq.s32 v29, $0x0;
	vm10 =	vgt.s32 v0, $0xC3FF  }
0x58: {  	v22 =	vadd.s32 $0xFFFF3C00, v0;
	vm11 =	vgt.s32 v1, $0xC3FF;
	v23 =	vadd.s32 $0xFFFF3C00, v1  }
0x59: {  	vm14 =	vgt.s32 v2, $0xC3FF;
	v26 =	vadd.s32 $0xFFFF3C00, v2;
	v0 =	vsel vm10, v22, v0  }
0x5a: {  	vm15 =	vgt.s32 v3, $0xC3FF;
	v27 =	vadd.s32 $0xFFFF3C00, v3;
	v1 =	vsel vm11, v23, v1;
	[tilespmem:$0x300] =	vst v0  }
0x5b: {  	vm6 =	vgt.s32 v5, $0xC3FF;
	v31 =	vadd.s32 $0xFFFF3C00, v5;
	v2 =	vsel vm14, v26, v2;
	[tilespmem:$0x310] =	vst v1  }
0x5c: {  	vm7 =	vgt.s32 v30, $0xC3FF;
	v36 =	vsel vm9, $0x1869F, v35;
	v3 =	vsel vm15, v27, v3;
	[tilespmem:$0x320] =	vst v2  }
0x5d: {  	v33 =	vadd.s32 $0xFFFF3C00, v30;
	v32 =	vsel vm6, v31, v5;
	vm11 =	vgt.s32 v36, $0xC3FF;
	[tilespmem:$0x330] =	vst v3  }
0x5e: {  	v39 =	vadd.s32 $0xFFFF3C00, v36;
	v0 =	vsel vm7, v33, v30;
	v2 =	vsel vm8, $0x1869F, v34;
	[tilespmem:$0x340] =	vst v32  }
0x5f: {  	v40 =	vsel vm11, v39, v36;
	vm10 =	vgt.s32 v2, $0xC3FF;
	v37 =	vadd.s32 $0xFFFF3C00, v2;
	[tilespmem:$0x350] =	vst v0  }
0x60: {  	[tilespmem:$0x370] =	vst v40;
	v38 =	vsel vm10, v37, v2  }
0x61: {  	[tilespmem:$0x360] =	vst v38  }
0x62: {  	[tilespmem:s14], [sflag:$0x1] =	stream.indirect.gather [hbm4b:s3+s8], $0x80, s13, s8, $0xb8;
	[tilespmem:$0x10400] =	vst v63  }
0x63: {  	v41 =	vld [tilespmem:$0x180]  }
0x64: {  	v42 =	vld [tilespmem:$0x190]  }
0x65: {  	v43 =	vld [tilespmem:$0x1A0]  }
0x66: {  	v44 =	vld [tilespmem:$0x1B0]  }
0x67: {  	v47 =	vld [tilespmem:$0x1C0]  }
0x68: {  	v48 =	vld [tilespmem:$0x1D0]  }
0x69: {  	v51 =	vld [tilespmem:$0x1E0]  }
0x6a: {  	v52 =	vld [tilespmem:$0x1F0]  }
0x6b: {  	vm12 =	veq.s32 v41, $0x0;
	v0 =	vadd.s32 $0xFFFFFFFF, v41  }
0x6c: {  	vm13 =	veq.s32 v42, $0x0;
	v1 =	vadd.s32 $0xFFFFFFFF, v42;
	vm4 =	veq.s32 v43, $0x0  }
0x6d: {  	v2 =	vadd.s32 $0xFFFFFFFF, v43;
	vm5 =	veq.s32 v44, $0x0;
	v3 =	vadd.s32 $0xFFFFFFFF, v44  }
0x6e: {  	vm8 =	veq.s32 v47, $0x0;
	v5 =	vadd.s32 $0xFFFFFFFF, v47;
	vm9 =	veq.s32 v48, $0x0  }
0x6f: {  	v4 =	vadd.s32 $0xFFFFFFFF, v48;
	v57 =	vadd.s32 $0xFFFFFFFF, v51;
	v58 =	vadd.s32 $0xFFFFFFFF, v52  }
0x70: {  	v0 =	vsel vm12, $0x1869F, v0;
	v1 =	vsel vm13, $0x1869F, v1;
	v2 =	vsel vm4, $0x1869F, v2  }
0x71: {  	v3 =	vsel vm5, $0x1869F, v3;
	v5 =	vsel vm8, $0x1869F, v5;
	v53 =	vsel vm9, $0x1869F, v4  }
0x72: {  	vm12 =	veq.s32 v51, $0x0;
	vm13 =	veq.s32 v52, $0x0;
	vm14 =	vgt.s32 v0, $0xC3FF  }
0x73: {  	v45 =	vadd.s32 $0xFFFF3C00, v0;
	vm15 =	vgt.s32 v1, $0xC3FF;
	v46 =	vadd.s32 $0xFFFF3C00, v1  }
0x74: {  	vm6 =	vgt.s32 v2, $0xC3FF;
	v49 =	vadd.s32 $0xFFFF3C00, v2;
	v0 =	vsel vm14, v45, v0  }
0x75: {  	vm7 =	vgt.s32 v3, $0xC3FF;
	v50 =	vadd.s32 $0xFFFF3C00, v3;
	v1 =	vsel vm15, v46, v1;
	[tilespmem:$0x380] =	vst v0  }
0x76: {  	vm10 =	vgt.s32 v5, $0xC3FF;
	v54 =	vadd.s32 $0xFFFF3C00, v5;
	v2 =	vsel vm6, v49, v2;
	[tilespmem:$0x390] =	vst v1  }
0x77: {  	vm11 =	vgt.s32 v53, $0xC3FF;
	v59 =	vsel vm13, $0x1869F, v58;
	v3 =	vsel vm7, v50, v3;
	[tilespmem:$0x3A0] =	vst v2  }
0x78: {  	v56 =	vadd.s32 $0xFFFF3C00, v53;
	v55 =	vsel vm10, v54, v5;
	vm15 =	vgt.s32 v59, $0xC3FF;
	[tilespmem:$0x3B0] =	vst v3  }
0x79: {  	v62 =	vadd.s32 $0xFFFF3C00, v59;
	v0 =	vsel vm11, v56, v53;
	v2 =	vsel vm12, $0x1869F, v57;
	[tilespmem:$0x3C0] =	vst v55  }
0x7a: {  	v63 =	vsel vm15, v62, v59;
	vm14 =	vgt.s32 v2, $0xC3FF;
	v60 =	vadd.s32 $0xFFFF3C00, v2;
	[tilespmem:$0x3D0] =	vst v0  }
0x7b: {  	[tilespmem:$0x3F0] =	vst v63;
	v61 =	vsel vm14, v60, v2  }
0x7c: {  	[tilespmem:$0x3E0] =	vst v61  }
0x7d: {  	[tilespmem:s16], [sflag:$0x1] =	stream.indirect.gather [hbm4b:s3+s8], $0x80, s15, s8, $0xb8;
	[tilespmem:$0x10400] =	vst v63  }
0x7e: {  	_ =	swait.ge [sflag:s17], $0x4000  }
0x7f: {  	[sflag:s17] =	ssyncset.done $0x0  }
0x80: {  	[sflag:s17] =	ssyncadd.s32 $0xFFFFC000  }
0x81: {  	_ =	swait.ge [sflag:s17], $0x4000  }
0x82: {  	[sflag:s17] =	ssyncset.done $0x0  }
0x83: {  	[sflag:s17] =	ssyncadd.s32 $0xFFFFC000  }
0x84: {  	_ =	swait.ge [sflag:s17], $0x4000  }
0x85: {  	[sflag:s17] =	ssyncset.done $0x0  }
0x86: {  	[sflag:s17] =	ssyncadd.s32 $0xFFFFC000  }
0x87: {  	_ =	swait.ge [sflag:s17], $0x4000  }
0x88: {  	p0 =	sne.s32 s6, $0x1;
	[sflag:s17] =	ssyncset.done $0x0  }
.Ltmp0:
0x89: {  	[sflag:s17] =	ssyncadd.s32 $0xFFFFC000;
	(pc) =	sbr.rel @p0 .LBB2_1-.Ltmp0, $4  }
0x8a: {  	[hbm4b:s5+s2] =	stream.linear.scatter [tilespmem:s10], [sflag:$0x2], $0x10000, $0x38;
	[tilespmem:$0x10400] =	vst v63  }
0x8b: {  	_ =	swait.ge [sflag:s7], $0x10000  }
0x8c: {  	[sflag:s7] =	ssyncset.done $0x0  }
0x8d: {  	s6 =	sadd.s32 $0xFFFFFFFF, s6;
	[sflag:s7] =	ssyncadd.s32 $0xFFFF0000  }
0x8e: {  	_ =	sfence.sel $0x180000  }
0x8f: {  	[bflag:$0x0] =	sbarrier.arrive $0xFFFF  }
0x90: {  	p0 =	sne.s32 s1, $0x0;
	_ =	strace $0x90000047  }
0x91: {  	s0 =	sadd.s32 @!p0 $0x100000, s0;
	[bflag:$0x2] =	sbarrier.arrive $0xFFFF  }
0x92: {  	[sflag:s0] =	ssyncadd.tile.s32 @!p0 $0x1;
	_ =	shalt  }
.Lfunc_end2:
_tile_overlayer_lowered:
.L_overlay_start_2:
0x93: {  	(tag) =	ssettag $0x2  }
0x94: {  	s0 =	rddreg [dreg:$0x0];
	s2 =	stileid.u32  }
0x95: {  	s1 =	rddreg [dreg:$0x1];
	p0 =	sne.s32 s2, $0x0  }
0x96: {  	s3 =	rddreg [dreg:$0x2];
	[bflag:$0x3] =	sbarrier.arrive $0xFFFF;
	s2 =	simm.s32 @!p0 $0x1C02  }
0x97: {  	[timem:s3], [sflag:s2] =	dma.local @!p0 [hbm:s0], s1  }
0x98: {  	s0 =	simm.s32 @!p0 $0x2  }
0x99: {  	_ =	swait.ge @!p0 [sflag:s0], s1  }
0x9a: {  	s1 =	ssub.s32 @!p0 $0x0, s1;
	[sflag:s0] =	ssyncset.done @!p0 $0x0  }
0x9b: {  	[sflag:s0] =	ssyncadd.s32 @!p0 s1  }
0x9c: {  	[bflag:$0x3] =	sbarrier.arrive $0xFFFF  }
0x9d: {  	_ =	shalt  }

</sc_bundles>
